<compile_context>
chip_gen: v7x
topology: tpu7x:2x2x1
jax: 0.10.2.dev20260603
libtpu: 0.0.44.dev20260713+nightly
codegen_flags: <defaults>
</compile_context>

<pallas_src>
import functools

import jax
import jax.numpy as jnp
from jax import lax
from jax.experimental import pallas as pl
from jax.experimental.pallas import tpu as pltpu
from jax.experimental.pallas import tpu_sc as plsc

NT = 32
NC = 2
NS = 16
CH = 128

G = 64


def _mesh():
    return plsc.VectorSubcoreMesh(
        core_axis_name="c", subcore_axis_name="s",
        num_cores=NC, num_subcores=NS)


def _make_deg_kernel(NP, NCH, RPT, H):
    @functools.partial(
        pl.kernel,
        out_type=jax.ShapeDtypeStruct((NC, NP, H), jnp.float32),
        mesh=_mesh(),
        scratch_types=[
            pltpu.VMEM_SHARED((NP, H), jnp.float32),
            pltpu.VMEM((NCH, CH), jnp.int32),
            pltpu.VMEM((CH, H), jnp.float32),
        ],
    )
    def deg_kernel(dstp_hbm, zh_hbm, ones_hbm, out_hbm, acc, dstbuf, ones_v):
        cid = lax.axis_index("c")
        sid = lax.axis_index("s")
        wid = sid * NC + cid
        r0 = sid * RPT
        pltpu.sync_copy(zh_hbm.at[pl.ds(r0, RPT)], acc.at[pl.ds(r0, RPT)])
        pltpu.sync_copy(ones_hbm, ones_v)
        pltpu.sync_copy(dstp_hbm.at[wid], dstbuf)
        plsc.subcore_barrier()

        def body(j, carry):
            pltpu.sync_copy(ones_v, acc.at[dstbuf.at[j]], add=True)
            return carry

        lax.fori_loop(0, NCH, body, 0)
        plsc.subcore_barrier()
        pltpu.sync_copy(acc.at[pl.ds(r0, RPT)],
                        out_hbm.at[cid].at[pl.ds(r0, RPT)])

    return deg_kernel


def _make_agg_kernel(NP, NCH, RPT, H):
    @functools.partial(
        pl.kernel,
        out_type=jax.ShapeDtypeStruct((NC, NP, H), jnp.float32),
        mesh=_mesh(),
        scratch_types=[
            pltpu.VMEM_SHARED((NP, H), jnp.float32),
            pltpu.VMEM((NCH, CH), jnp.int32),
            pltpu.VMEM((NCH, CH), jnp.int32),
            pltpu.VMEM((CH, H), jnp.float32),
        ],
    )
    def agg_kernel(hp_hbm, srcp_hbm, dstp_hbm, zh_hbm, out_hbm,
                   acc, srcbuf, dstbuf, rows):
        cid = lax.axis_index("c")
        sid = lax.axis_index("s")
        wid = sid * NC + cid
        r0 = sid * RPT
        pltpu.sync_copy(zh_hbm.at[pl.ds(r0, RPT)], acc.at[pl.ds(r0, RPT)])
        pltpu.sync_copy(srcp_hbm.at[wid], srcbuf)
        pltpu.sync_copy(dstp_hbm.at[wid], dstbuf)
        plsc.subcore_barrier()

        def body(j, carry):
            pltpu.sync_copy(hp_hbm.at[srcbuf.at[j]], rows)
            pltpu.sync_copy(rows, acc.at[dstbuf.at[j]], add=True)
            return carry

        lax.fori_loop(0, NCH, body, 0)
        plsc.subcore_barrier()
        pltpu.sync_copy(acc.at[pl.ds(r0, RPT)], out_hbm.at[cid].at[pl.ds(r0, RPT)])

    return agg_kernel


def _dis_from(deg2_ref):
    deg = deg2_ref[0, :, 0:1] + deg2_ref[1, :, 0:1] + 1.0
    return lax.rsqrt(deg)


def _tc_mm_body(x_ref, w_ref, h_ref):
    h_ref[...] = jnp.dot(x_ref[...], w_ref[...],
                         preferred_element_type=jnp.float32)


def _tc_pre_body(N, NP, deg2_ref, h_ref, hp_ref):
    dis = _dis_from(deg2_ref)
    hp_ref[pl.ds(0, N), :] = dis[:N] * h_ref[...]
    hp_ref[pl.ds(N, NP - N), :] = jnp.zeros(
        (NP - N, h_ref.shape[1]), jnp.float32)


def _tc_mid_body(N, NP, acc2_ref, hp_ref, deg2_ref, b_ref, w_ref, out_ref):
    dis = _dis_from(deg2_ref)
    agg = acc2_ref[0] + acc2_ref[1] + hp_ref[...]
    xn = jnp.maximum(agg * dis + b_ref[...], 0.0)
    h = jnp.dot(xn, w_ref[...], preferred_element_type=jnp.float32)
    out_ref[...] = dis * h
    out_ref[pl.ds(N, NP - N), :] = jnp.zeros((NP - N, h.shape[1]), jnp.float32)


def _tc_fin_body(N, acc2_ref, hp_ref, deg2_ref, b_ref, batch_ref, wl_ref,
                 bl_ref, out_ref):
    dis = _dis_from(deg2_ref)
    agg = acc2_ref[0] + acc2_ref[1] + hp_ref[...]
    x3 = jnp.maximum(agg * dis + b_ref[...], 0.0)[:N]
    gid = lax.broadcasted_iota(jnp.int32, (G, N), 0)
    oh = (gid == batch_ref[...]).astype(jnp.float32)
    sums = jnp.dot(oh, x3, preferred_element_type=jnp.float32)
    cnt = jnp.sum(oh, axis=1, keepdims=True)
    pooled = sums / jnp.maximum(cnt, 1.0)
    out_ref[...] = (
        jnp.dot(pooled, wl_ref[...], preferred_element_type=jnp.float32)
        + bl_ref[...]
    )


def kernel(x, edge_index, batch, W1, b1, W2, b2, W3, b3, Wl, bl):
    N, D = x.shape
    H = W1.shape[1]
    C = Wl.shape[1]
    E = edge_index.shape[1]

    NP = -(-(N + 1) // 128) * 128
    RPT = NP // NS
    NCH = -(-E // (NT * CH))
    EP = NT * NCH * CH

    src = edge_index[0]
    dst = edge_index[1]
    padv = jnp.full((EP - E,), N, dtype=jnp.int32)
    srcp = jnp.concatenate([src, padv]).reshape(NT, NCH, CH)
    dstp = jnp.concatenate([dst, padv]).reshape(NT, NCH, CH)
    zh = jnp.zeros((NP, H), jnp.float32)
    onesh = jnp.ones((CH, H), jnp.float32)

    deg_k = _make_deg_kernel(NP, NCH, RPT, H)
    agg_k = _make_agg_kernel(NP, NCH, RPT, H)

    tc_mm = pl.pallas_call(
        _tc_mm_body,
        out_shape=jax.ShapeDtypeStruct((N, H), jnp.float32),
    )
    tc_pre = pl.pallas_call(
        functools.partial(_tc_pre_body, N, NP),
        out_shape=jax.ShapeDtypeStruct((NP, H), jnp.float32),
    )
    tc_mid = pl.pallas_call(
        functools.partial(_tc_mid_body, N, NP),
        out_shape=jax.ShapeDtypeStruct((NP, H), jnp.float32),
    )
    tc_fin = pl.pallas_call(
        functools.partial(_tc_fin_body, N),
        out_shape=jax.ShapeDtypeStruct((G, C), jnp.float32),
    )

    batch2 = batch.reshape(1, N)
    b1r, b2r, b3r, blr = (v.reshape(1, -1) for v in (b1, b2, b3, bl))

    h1 = tc_mm(x, W1)
    deg2 = deg_k(dstp, zh, onesh)[:, :, :8]
    hp1 = tc_pre(deg2, h1)
    acc1 = agg_k(hp1, srcp, dstp, zh)
    hp2 = tc_mid(acc1, hp1, deg2, b1r, W2)
    acc2 = agg_k(hp2, srcp, dstp, zh)
    hp3 = tc_mid(acc2, hp2, deg2, b2r, W3)
    acc3 = agg_k(hp3, srcp, dstp, zh)
    return tc_fin(acc3, hp3, deg2, b3r, batch2, Wl, blr)

# --- scband reference (transcript-rebuilt; emitter-appended) ---
"""Pipeline reference for scband-gcngraph-25314537242717 (READ-ONLY COPY).

The authoritative reference and input builder live on the scoring server;
editing this copy changes nothing except your own understanding.
"""

import jax, jax.numpy as jnp
import numpy as np

N = 10000
E = 320000
D = 128
H = 128
C = 40
G = 64


def setup_inputs(seed: int = 0) -> dict:
    key = jax.random.key(seed)
    ks = jax.random.split(key, 12)
    x = jax.random.normal(ks[0], (N, D), dtype=jnp.float32)
    edge_index = jax.random.randint(ks[1], (2, E), 0, N, dtype=jnp.int32)
    batch = jnp.sort(jax.random.randint(ks[2], (N,), 0, G, dtype=jnp.int32))
    W1 = jax.random.normal(ks[3], (D, H), dtype=jnp.float32) * 0.05
    b1 = jnp.zeros((H,), dtype=jnp.float32)
    W2 = jax.random.normal(ks[4], (H, H), dtype=jnp.float32) * 0.05
    b2 = jnp.zeros((H,), dtype=jnp.float32)
    W3 = jax.random.normal(ks[5], (H, H), dtype=jnp.float32) * 0.05
    b3 = jnp.zeros((H,), dtype=jnp.float32)
    Wl = jax.random.normal(ks[6], (H, C), dtype=jnp.float32) * 0.05
    bl = jnp.zeros((C,), dtype=jnp.float32)
    return {"x": x, "edge_index": edge_index, "batch": batch,
            "W1": W1, "b1": b1, "W2": W2, "b2": b2, "W3": W3, "b3": b3,
            "Wl": Wl, "bl": bl}


def gcn_conv(x, edge_index, W, b):
    # GCNConv with added self-loops and symmetric normalization (PyG semantics)
    src = edge_index[0]
    dst = edge_index[1]
    loop = jnp.arange(N, dtype=src.dtype)
    src = jnp.concatenate([src, loop])
    dst = jnp.concatenate([dst, loop])
    h = x @ W
    ones = jnp.ones(dst.shape[0], dtype=h.dtype)
    deg = jax.ops.segment_sum(ones, dst, num_segments=N)
    deg_inv_sqrt = jnp.where(deg > 0, deg ** -0.5, 0.0)
    norm = deg_inv_sqrt[src] * deg_inv_sqrt[dst]
    msgs = h[src] * norm[:, None]
    out = jax.ops.segment_sum(msgs, dst, num_segments=N)
    return out + b


def reference(x, edge_index, batch, W1, b1, W2, b2, W3, b3, Wl, bl):
    h = jax.nn.relu(gcn_conv(x, edge_index, W1, b1))
    h = jax.nn.relu(gcn_conv(h, edge_index, W2, b2))
    h = jax.nn.relu(gcn_conv(h, edge_index, W3, b3))
    sums = jax.ops.segment_sum(h, batch, num_segments=G)
    cnt = jax.ops.segment_sum(jnp.ones((N,), dtype=h.dtype), batch, num_segments=G)
    pooled = sums / jnp.clip(cnt, 1.0)[:, None]
    # dropout p=0.5 is identity in eval mode
    return pooled @ Wl + bl

if __name__ == "__main__":
    import jax
    _d = setup_inputs()
    print(jax.jit(kernel)(*tuple(_d.values())))

</pallas_src>

<mosaic_0001>
#map = affine_map<(d0, d1) -> (0, 0)>
#map1 = affine_map<(d0, d1) -> (0, 0, 0)>
module attributes {stable_mosaic.version = 14 : i64} {
  func.func @agg_kernel(%arg0: i32, %arg1: i32, %arg2: memref<10112x128xf32, #tpu.memory_space<hbm>>, %arg3: memref<32x79x128xi32, #tpu.memory_space<hbm>>, %arg4: memref<32x79x128xi32, #tpu.memory_space<hbm>>, %arg5: memref<10112x128xf32, #tpu.memory_space<hbm>>, %arg6: memref<2x10112x128xf32, #tpu.memory_space<hbm>>, %arg7: memref<10112x128xf32, #tpu.memory_space<vmem_shared>>, %arg8: memref<79x128xi32, #tpu.memory_space<vmem>>, %arg9: memref<79x128xi32, #tpu.memory_space<vmem>>, %arg10: memref<128x128xf32, #tpu.memory_space<vmem>>) attributes {dimension_semantics = [#tpu.dimension_semantics<core_parallel>, #tpu.dimension_semantics<subcore_parallel>], iteration_bounds = array<i64: 2, 16>, scalar_prefetch = 0 : i64, scratch_operands = 4 : i64, tpu.core_type = #tpu.core_type<sc_vector_subcore>, window_params = [{transform_indices = #map}, {transform_indices = #map1}, {transform_indices = #map1}, {transform_indices = #map}, {transform_indices = #map1}]} {
    %mul3A = arith.constant 2 : i32
    %mul3A_0 = arith.muli %arg1, %mul3A : i32
    %add3A = arith.addi %mul3A_0, %arg0 : i32
    %mul3A_1 = arith.constant 632 : i32
    %mul3A_2 = arith.muli %arg1, %mul3A_1 : i32
    "tpu.region"() ({
      %run_scoped3A = tpu.sem_alloc : memref<!tpu.dma_semaphore, #tpu.memory_space<semaphore_mem>>
      %dma_start3A = arith.constant 0 : i32
      %dma_start3A_9 = tpu.memref_slice %arg7[%mul3A_2, %dma_start3A] : memref<10112x128xf32, #tpu.memory_space<vmem_shared>> -> memref<632x128xf32, #tpu.memory_space<vmem_shared>>
      %dma_start3A_10 = arith.constant 0 : i32
      %dma_start3A_11 = tpu.memref_slice %arg5[%mul3A_2, %dma_start3A_10] : memref<10112x128xf32, #tpu.memory_space<hbm>> -> memref<632x128xf32, #tpu.memory_space<hbm>>
      tpu.enqueue_dma source(%dma_start3A_11 : memref<632x128xf32, #tpu.memory_space<hbm>>) target(%dma_start3A_9 : memref<632x128xf32, #tpu.memory_space<vmem_shared>>) target_semaphore(%run_scoped3A : memref<!tpu.dma_semaphore, #tpu.memory_space<semaphore_mem>>)
      %dma_wait3A = arith.constant 0 : i32
      %dma_wait3A_12 = tpu.memref_slice %arg7[%mul3A_2, %dma_wait3A] : memref<10112x128xf32, #tpu.memory_space<vmem_shared>> -> memref<632x128xf32, #tpu.memory_space<vmem_shared>>
      %dma_wait3A_13 = arith.constant 0 : i32
      %dma_wait3A_14 = tpu.memref_slice %arg5[%mul3A_2, %dma_wait3A_13] : memref<10112x128xf32, #tpu.memory_space<hbm>> -> memref<632x128xf32, #tpu.memory_space<hbm>>
      tpu.wait_dma2 semaphore(%run_scoped3A : memref<!tpu.dma_semaphore, #tpu.memory_space<semaphore_mem>>) src(%dma_wait3A_14 : memref<632x128xf32, #tpu.memory_space<hbm>>) dst(%dma_wait3A_12 : memref<632x128xf32, #tpu.memory_space<vmem_shared>>)
      tpu.yield
    }) : () -> ()
    "tpu.region"() ({
      %run_scoped3A = tpu.sem_alloc : memref<!tpu.dma_semaphore, #tpu.memory_space<semaphore_mem>>
      %dma_start3A = arith.constant 0 : i32
      %dma_start3A_9 = arith.constant 0 : i32
      %dma_start3A_10 = tpu.memref_slice %arg3[%add3A, %dma_start3A, %dma_start3A_9] : memref<32x79x128xi32, #tpu.memory_space<hbm>> -> memref<1x79x128xi32, #tpu.memory_space<hbm>>
      %dma_start3A_11 = tpu.memref_squeeze %dma_start3A_10 : memref<1x79x128xi32, #tpu.memory_space<hbm>> -> memref<79x128xi32, #tpu.memory_space<hbm>>
      %dma_start3A_12 = arith.constant 0 : i32
      %dma_start3A_13 = arith.constant 0 : i32
      %dma_start3A_14 = tpu.memref_slice %arg3[%add3A, %dma_start3A_12, %dma_start3A_13] : memref<32x79x128xi32, #tpu.memory_space<hbm>> -> memref<1x79x128xi32, #tpu.memory_space<hbm>>
      %dma_start3A_15 = tpu.memref_squeeze %dma_start3A_14 : memref<1x79x128xi32, #tpu.memory_space<hbm>> -> memref<79x128xi32, #tpu.memory_space<hbm>>
      tpu.enqueue_dma source(%dma_start3A_15 : memref<79x128xi32, #tpu.memory_space<hbm>>) target(%arg8 : memref<79x128xi32, #tpu.memory_space<vmem>>) target_semaphore(%run_scoped3A : memref<!tpu.dma_semaphore, #tpu.memory_space<semaphore_mem>>)
      %dma_wait3A = arith.constant 0 : i32
      %dma_wait3A_16 = arith.constant 0 : i32
      %dma_wait3A_17 = tpu.memref_slice %arg3[%add3A, %dma_wait3A, %dma_wait3A_16] : memref<32x79x128xi32, #tpu.memory_space<hbm>> -> memref<1x79x128xi32, #tpu.memory_space<hbm>>
      %dma_wait3A_18 = tpu.memref_squeeze %dma_wait3A_17 : memref<1x79x128xi32, #tpu.memory_space<hbm>> -> memref<79x128xi32, #tpu.memory_space<hbm>>
      %dma_wait3A_19 = arith.constant 0 : i32
      %dma_wait3A_20 = arith.constant 0 : i32
      %dma_wait3A_21 = tpu.memref_slice %arg3[%add3A, %dma_wait3A_19, %dma_wait3A_20] : memref<32x79x128xi32, #tpu.memory_space<hbm>> -> memref<1x79x128xi32, #tpu.memory_space<hbm>>
      %dma_wait3A_22 = tpu.memref_squeeze %dma_wait3A_21 : memref<1x79x128xi32, #tpu.memory_space<hbm>> -> memref<79x128xi32, #tpu.memory_space<hbm>>
      tpu.wait_dma2 semaphore(%run_scoped3A : memref<!tpu.dma_semaphore, #tpu.memory_space<semaphore_mem>>) src(%dma_wait3A_22 : memref<79x128xi32, #tpu.memory_space<hbm>>) dst(%arg8 : memref<79x128xi32, #tpu.memory_space<vmem>>)
      tpu.yield
    }) : () -> ()
    "tpu.region"() ({
      %run_scoped3A = tpu.sem_alloc : memref<!tpu.dma_semaphore, #tpu.memory_space<semaphore_mem>>
      %dma_start3A = arith.constant 0 : i32
      %dma_start3A_9 = arith.constant 0 : i32
      %dma_start3A_10 = tpu.memref_slice %arg4[%add3A, %dma_start3A, %dma_start3A_9] : memref<32x79x128xi32, #tpu.memory_space<hbm>> -> memref<1x79x128xi32, #tpu.memory_space<hbm>>
      %dma_start3A_11 = tpu.memref_squeeze %dma_start3A_10 : memref<1x79x128xi32, #tpu.memory_space<hbm>> -> memref<79x128xi32, #tpu.memory_space<hbm>>
      %dma_start3A_12 = arith.constant 0 : i32
      %dma_start3A_13 = arith.constant 0 : i32
      %dma_start3A_14 = tpu.memref_slice %arg4[%add3A, %dma_start3A_12, %dma_start3A_13] : memref<32x79x128xi32, #tpu.memory_space<hbm>> -> memref<1x79x128xi32, #tpu.memory_space<hbm>>
      %dma_start3A_15 = tpu.memref_squeeze %dma_start3A_14 : memref<1x79x128xi32, #tpu.memory_space<hbm>> -> memref<79x128xi32, #tpu.memory_space<hbm>>
      tpu.enqueue_dma source(%dma_start3A_15 : memref<79x128xi32, #tpu.memory_space<hbm>>) target(%arg9 : memref<79x128xi32, #tpu.memory_space<vmem>>) target_semaphore(%run_scoped3A : memref<!tpu.dma_semaphore, #tpu.memory_space<semaphore_mem>>)
      %dma_wait3A = arith.constant 0 : i32
      %dma_wait3A_16 = arith.constant 0 : i32
      %dma_wait3A_17 = tpu.memref_slice %arg4[%add3A, %dma_wait3A, %dma_wait3A_16] : memref<32x79x128xi32, #tpu.memory_space<hbm>> -> memref<1x79x128xi32, #tpu.memory_space<hbm>>
      %dma_wait3A_18 = tpu.memref_squeeze %dma_wait3A_17 : memref<1x79x128xi32, #tpu.memory_space<hbm>> -> memref<79x128xi32, #tpu.memory_space<hbm>>
      %dma_wait3A_19 = arith.constant 0 : i32
      %dma_wait3A_20 = arith.constant 0 : i32
      %dma_wait3A_21 = tpu.memref_slice %arg4[%add3A, %dma_wait3A_19, %dma_wait3A_20] : memref<32x79x128xi32, #tpu.memory_space<hbm>> -> memref<1x79x128xi32, #tpu.memory_space<hbm>>
      %dma_wait3A_22 = tpu.memref_squeeze %dma_wait3A_21 : memref<1x79x128xi32, #tpu.memory_space<hbm>> -> memref<79x128xi32, #tpu.memory_space<hbm>>
      tpu.wait_dma2 semaphore(%run_scoped3A : memref<!tpu.dma_semaphore, #tpu.memory_space<semaphore_mem>>) src(%dma_wait3A_22 : memref<79x128xi32, #tpu.memory_space<hbm>>) dst(%arg9 : memref<79x128xi32, #tpu.memory_space<vmem>>)
      tpu.yield
    }) : () -> ()
    %barrier3A = arith.constant 0 : index
    tpu.barrier barrier_id(%barrier3A)
    %scan3A = arith.constant 0 : i32
    %scan3A_3 = arith.constant 0 : i32
    %scan3A_4 = arith.constant 79 : i32
    %scan3A_5 = arith.addi %scan3A_3, %scan3A_4 : i32
    %scan3A_6 = arith.constant 1 : i32
    scf.for %scan3A_9 = %scan3A_3 to %scan3A_5 step %scan3A_6  : i32 {
      "tpu.region"() ({
        %run_scoped3A = tpu.sem_alloc : memref<!tpu.dma_semaphore, #tpu.memory_space<semaphore_mem>>
        %dma_start3A = arith.constant 0 : i32
        %dma_start3A_10 = tpu.memref_slice %arg8[%scan3A_9, %dma_start3A] : memref<79x128xi32, #tpu.memory_space<vmem>> -> memref<1x128xi32, #tpu.memory_space<vmem>>
        %dma_start3A_11 = tpu.memref_squeeze %dma_start3A_10 : memref<1x128xi32, #tpu.memory_space<vmem>> -> memref<128xi32, #tpu.memory_space<vmem>>
        %dma_start3A_12 = arith.constant 0 : i32
        %dma_start3A_13 = arith.constant 0 : i32
        %dma_start3A_14 = tpu.memref_slice %arg2[%dma_start3A_12, %dma_start3A_13] : memref<10112x128xf32, #tpu.memory_space<hbm>> -> memref<10112x128xf32, #tpu.memory_space<hbm>>
        tpu.enqueue_indirect_dma source(%dma_start3A_14 : memref<10112x128xf32, #tpu.memory_space<hbm>>) target(%arg10 : memref<128x128xf32, #tpu.memory_space<vmem>>) offsets(%dma_start3A_11 : memref<128xi32, #tpu.memory_space<vmem>>) semaphore(%run_scoped3A : memref<!tpu.dma_semaphore, #tpu.memory_space<semaphore_mem>>)
        %dma_wait3A = arith.constant 0 : i32
        %dma_wait3A_15 = tpu.memref_slice %arg8[%scan3A_9, %dma_wait3A] : memref<79x128xi32, #tpu.memory_space<vmem>> -> memref<1x128xi32, #tpu.memory_space<vmem>>
        %dma_wait3A_16 = tpu.memref_squeeze %dma_wait3A_15 : memref<1x128xi32, #tpu.memory_space<vmem>> -> memref<128xi32, #tpu.memory_space<vmem>>
        %dma_wait3A_17 = arith.constant 0 : i32
        %dma_wait3A_18 = arith.constant 0 : i32
        %dma_wait3A_19 = tpu.memref_slice %arg2[%dma_wait3A_17, %dma_wait3A_18] : memref<10112x128xf32, #tpu.memory_space<hbm>> -> memref<10112x128xf32, #tpu.memory_space<hbm>>
        tpu.wait_indirect_dma semaphore(%run_scoped3A : memref<!tpu.dma_semaphore, #tpu.memory_space<semaphore_mem>>) src(%dma_wait3A_19 : memref<10112x128xf32, #tpu.memory_space<hbm>>) dst(%arg10 : memref<128x128xf32, #tpu.memory_space<vmem>>)
        tpu.yield
      }) : () -> ()
      "tpu.region"() ({
        %run_scoped3A = tpu.sem_alloc : memref<!tpu.dma_semaphore, #tpu.memory_space<semaphore_mem>>
        %dma_start3A = arith.constant 0 : i32
        %dma_start3A_10 = tpu.memref_slice %arg9[%scan3A_9, %dma_start3A] : memref<79x128xi32, #tpu.memory_space<vmem>> -> memref<1x128xi32, #tpu.memory_space<vmem>>
        %dma_start3A_11 = tpu.memref_squeeze %dma_start3A_10 : memref<1x128xi32, #tpu.memory_space<vmem>> -> memref<128xi32, #tpu.memory_space<vmem>>
        %dma_start3A_12 = arith.constant 0 : i32
        %dma_start3A_13 = arith.constant 0 : i32
        %dma_start3A_14 = tpu.memref_slice %arg7[%dma_start3A_12, %dma_start3A_13] : memref<10112x128xf32, #tpu.memory_space<vmem_shared>> -> memref<10112x128xf32, #tpu.memory_space<vmem_shared>>
        tpu.enqueue_indirect_dma source(%arg10 : memref<128x128xf32, #tpu.memory_space<vmem>>) target(%dma_start3A_14 : memref<10112x128xf32, #tpu.memory_space<vmem_shared>>) offsets(%dma_start3A_11 : memref<128xi32, #tpu.memory_space<vmem>>) semaphore(%run_scoped3A : memref<!tpu.dma_semaphore, #tpu.memory_space<semaphore_mem>>) {add = true}
        %dma_wait3A = arith.constant 0 : i32
        %dma_wait3A_15 = tpu.memref_slice %arg9[%scan3A_9, %dma_wait3A] : memref<79x128xi32, #tpu.memory_space<vmem>> -> memref<1x128xi32, #tpu.memory_space<vmem>>
        %dma_wait3A_16 = tpu.memref_squeeze %dma_wait3A_15 : memref<1x128xi32, #tpu.memory_space<vmem>> -> memref<128xi32, #tpu.memory_space<vmem>>
        %dma_wait3A_17 = arith.constant 0 : i32
        %dma_wait3A_18 = arith.constant 0 : i32
        %dma_wait3A_19 = tpu.memref_slice %arg7[%dma_wait3A_17, %dma_wait3A_18] : memref<10112x128xf32, #tpu.memory_space<vmem_shared>> -> memref<10112x128xf32, #tpu.memory_space<vmem_shared>>
        tpu.wait_indirect_dma semaphore(%run_scoped3A : memref<!tpu.dma_semaphore, #tpu.memory_space<semaphore_mem>>) src(%arg10 : memref<128x128xf32, #tpu.memory_space<vmem>>) dst(%dma_wait3A_19 : memref<10112x128xf32, #tpu.memory_space<vmem_shared>>)
        tpu.yield
      }) : () -> ()
    }
    %scan3A_7 = arith.constant 79 : i32
    %barrier3A_8 = arith.constant 0 : index
    tpu.barrier barrier_id(%barrier3A_8)
    "tpu.region"() ({
      %run_scoped3A = tpu.sem_alloc : memref<!tpu.dma_semaphore, #tpu.memory_space<semaphore_mem>>
      %dma_start3A = arith.constant 0 : i32
      %dma_start3A_9 = arith.constant 0 : i32
      %dma_start3A_10 = tpu.memref_slice %arg6[%arg0, %dma_start3A, %dma_start3A_9] : memref<2x10112x128xf32, #tpu.memory_space<hbm>> -> memref<1x10112x128xf32, #tpu.memory_space<hbm>>
      %dma_start3A_11 = tpu.memref_squeeze %dma_start3A_10 : memref<1x10112x128xf32, #tpu.memory_space<hbm>> -> memref<10112x128xf32, #tpu.memory_space<hbm>>
      %dma_start3A_12 = arith.constant 0 : i32
      %dma_start3A_13 = tpu.memref_slice %dma_start3A_11[%mul3A_2, %dma_start3A_12] : memref<10112x128xf32, #tpu.memory_space<hbm>> -> memref<632x128xf32, #tpu.memory_space<hbm>>
      %dma_start3A_14 = arith.constant 0 : i32
      %dma_start3A_15 = tpu.memref_slice %arg7[%mul3A_2, %dma_start3A_14] : memref<10112x128xf32, #tpu.memory_space<vmem_shared>> -> memref<632x128xf32, #tpu.memory_space<vmem_shared>>
      tpu.enqueue_dma source(%dma_start3A_15 : memref<632x128xf32, #tpu.memory_space<vmem_shared>>) target(%dma_start3A_13 : memref<632x128xf32, #tpu.memory_space<hbm>>) target_semaphore(%run_scoped3A : memref<!tpu.dma_semaphore, #tpu.memory_space<semaphore_mem>>)
      %dma_wait3A = arith.constant 0 : i32
      %dma_wait3A_16 = arith.constant 0 : i32
      %dma_wait3A_17 = tpu.memref_slice %arg6[%arg0, %dma_wait3A, %dma_wait3A_16] : memref<2x10112x128xf32, #tpu.memory_space<hbm>> -> memref<1x10112x128xf32, #tpu.memory_space<hbm>>
      %dma_wait3A_18 = tpu.memref_squeeze %dma_wait3A_17 : memref<1x10112x128xf32, #tpu.memory_space<hbm>> -> memref<10112x128xf32, #tpu.memory_space<hbm>>
      %dma_wait3A_19 = arith.constant 0 : i32
      %dma_wait3A_20 = tpu.memref_slice %dma_wait3A_18[%mul3A_2, %dma_wait3A_19] : memref<10112x128xf32, #tpu.memory_space<hbm>> -> memref<632x128xf32, #tpu.memory_space<hbm>>
      %dma_wait3A_21 = arith.constant 0 : i32
      %dma_wait3A_22 = tpu.memref_slice %arg7[%mul3A_2, %dma_wait3A_21] : memref<10112x128xf32, #tpu.memory_space<vmem_shared>> -> memref<632x128xf32, #tpu.memory_space<vmem_shared>>
      tpu.wait_dma2 semaphore(%run_scoped3A : memref<!tpu.dma_semaphore, #tpu.memory_space<semaphore_mem>>) src(%dma_wait3A_22 : memref<632x128xf32, #tpu.memory_space<vmem_shared>>) dst(%dma_wait3A_20 : memref<632x128xf32, #tpu.memory_space<hbm>>)
      tpu.yield
    }) : () -> ()
    return
  }
}

#map = affine_map<(d0, d1) -> (0, 0, 0)>
#map1 = affine_map<(d0, d1) -> (0, 0)>
module attributes {stable_mosaic.version = 14 : i64} {
  func.func @deg_kernel(%arg0: i32, %arg1: i32, %arg2: memref<32x79x128xi32, #tpu.memory_space<hbm>>, %arg3: memref<10112x128xf32, #tpu.memory_space<hbm>>, %arg4: memref<128x128xf32, #tpu.memory_space<hbm>>, %arg5: memref<2x10112x128xf32, #tpu.memory_space<hbm>>, %arg6: memref<10112x128xf32, #tpu.memory_space<vmem_shared>>, %arg7: memref<79x128xi32, #tpu.memory_space<vmem>>, %arg8: memref<128x128xf32, #tpu.memory_space<vmem>>) attributes {dimension_semantics = [#tpu.dimension_semantics<core_parallel>, #tpu.dimension_semantics<subcore_parallel>], iteration_bounds = array<i64: 2, 16>, scalar_prefetch = 0 : i64, scratch_operands = 3 : i64, tpu.core_type = #tpu.core_type<sc_vector_subcore>, window_params = [{transform_indices = #map}, {transform_indices = #map1}, {transform_indices = #map1}, {transform_indices = #map}]} {
    %mul3A = arith.constant 2 : i32
    %mul3A_0 = arith.muli %arg1, %mul3A : i32
    %add3A = arith.addi %mul3A_0, %arg0 : i32
    %mul3A_1 = arith.constant 632 : i32
    %mul3A_2 = arith.muli %arg1, %mul3A_1 : i32
    "tpu.region"() ({
      %run_scoped3A = tpu.sem_alloc : memref<!tpu.dma_semaphore, #tpu.memory_space<semaphore_mem>>
      %dma_start3A = arith.constant 0 : i32
      %dma_start3A_9 = tpu.memref_slice %arg6[%mul3A_2, %dma_start3A] : memref<10112x128xf32, #tpu.memory_space<vmem_shared>> -> memref<632x128xf32, #tpu.memory_space<vmem_shared>>
      %dma_start3A_10 = arith.constant 0 : i32
      %dma_start3A_11 = tpu.memref_slice %arg3[%mul3A_2, %dma_start3A_10] : memref<10112x128xf32, #tpu.memory_space<hbm>> -> memref<632x128xf32, #tpu.memory_space<hbm>>
      tpu.enqueue_dma source(%dma_start3A_11 : memref<632x128xf32, #tpu.memory_space<hbm>>) target(%dma_start3A_9 : memref<632x128xf32, #tpu.memory_space<vmem_shared>>) target_semaphore(%run_scoped3A : memref<!tpu.dma_semaphore, #tpu.memory_space<semaphore_mem>>)
      %dma_wait3A = arith.constant 0 : i32
      %dma_wait3A_12 = tpu.memref_slice %arg6[%mul3A_2, %dma_wait3A] : memref<10112x128xf32, #tpu.memory_space<vmem_shared>> -> memref<632x128xf32, #tpu.memory_space<vmem_shared>>
      %dma_wait3A_13 = arith.constant 0 : i32
      %dma_wait3A_14 = tpu.memref_slice %arg3[%mul3A_2, %dma_wait3A_13] : memref<10112x128xf32, #tpu.memory_space<hbm>> -> memref<632x128xf32, #tpu.memory_space<hbm>>
      tpu.wait_dma2 semaphore(%run_scoped3A : memref<!tpu.dma_semaphore, #tpu.memory_space<semaphore_mem>>) src(%dma_wait3A_14 : memref<632x128xf32, #tpu.memory_space<hbm>>) dst(%dma_wait3A_12 : memref<632x128xf32, #tpu.memory_space<vmem_shared>>)
      tpu.yield
    }) : () -> ()
    "tpu.region"() ({
      %run_scoped3A = tpu.sem_alloc : memref<!tpu.dma_semaphore, #tpu.memory_space<semaphore_mem>>
      tpu.enqueue_dma source(%arg4 : memref<128x128xf32, #tpu.memory_space<hbm>>) target(%arg8 : memref<128x128xf32, #tpu.memory_space<vmem>>) target_semaphore(%run_scoped3A : memref<!tpu.dma_semaphore, #tpu.memory_space<semaphore_mem>>)
      tpu.wait_dma2 semaphore(%run_scoped3A : memref<!tpu.dma_semaphore, #tpu.memory_space<semaphore_mem>>) src(%arg4 : memref<128x128xf32, #tpu.memory_space<hbm>>) dst(%arg8 : memref<128x128xf32, #tpu.memory_space<vmem>>)
      tpu.yield
    }) : () -> ()
    "tpu.region"() ({
      %run_scoped3A = tpu.sem_alloc : memref<!tpu.dma_semaphore, #tpu.memory_space<semaphore_mem>>
      %dma_start3A = arith.constant 0 : i32
      %dma_start3A_9 = arith.constant 0 : i32
      %dma_start3A_10 = tpu.memref_slice %arg2[%add3A, %dma_start3A, %dma_start3A_9] : memref<32x79x128xi32, #tpu.memory_space<hbm>> -> memref<1x79x128xi32, #tpu.memory_space<hbm>>
      %dma_start3A_11 = tpu.memref_squeeze %dma_start3A_10 : memref<1x79x128xi32, #tpu.memory_space<hbm>> -> memref<79x128xi32, #tpu.memory_space<hbm>>
      %dma_start3A_12 = arith.constant 0 : i32
      %dma_start3A_13 = arith.constant 0 : i32
      %dma_start3A_14 = tpu.memref_slice %arg2[%add3A, %dma_start3A_12, %dma_start3A_13] : memref<32x79x128xi32, #tpu.memory_space<hbm>> -> memref<1x79x128xi32, #tpu.memory_space<hbm>>
      %dma_start3A_15 = tpu.memref_squeeze %dma_start3A_14 : memref<1x79x128xi32, #tpu.memory_space<hbm>> -> memref<79x128xi32, #tpu.memory_space<hbm>>
      tpu.enqueue_dma source(%dma_start3A_15 : memref<79x128xi32, #tpu.memory_space<hbm>>) target(%arg7 : memref<79x128xi32, #tpu.memory_space<vmem>>) target_semaphore(%run_scoped3A : memref<!tpu.dma_semaphore, #tpu.memory_space<semaphore_mem>>)
      %dma_wait3A = arith.constant 0 : i32
      %dma_wait3A_16 = arith.constant 0 : i32
      %dma_wait3A_17 = tpu.memref_slice %arg2[%add3A, %dma_wait3A, %dma_wait3A_16] : memref<32x79x128xi32, #tpu.memory_space<hbm>> -> memref<1x79x128xi32, #tpu.memory_space<hbm>>
      %dma_wait3A_18 = tpu.memref_squeeze %dma_wait3A_17 : memref<1x79x128xi32, #tpu.memory_space<hbm>> -> memref<79x128xi32, #tpu.memory_space<hbm>>
      %dma_wait3A_19 = arith.constant 0 : i32
      %dma_wait3A_20 = arith.constant 0 : i32
      %dma_wait3A_21 = tpu.memref_slice %arg2[%add3A, %dma_wait3A_19, %dma_wait3A_20] : memref<32x79x128xi32, #tpu.memory_space<hbm>> -> memref<1x79x128xi32, #tpu.memory_space<hbm>>
      %dma_wait3A_22 = tpu.memref_squeeze %dma_wait3A_21 : memref<1x79x128xi32, #tpu.memory_space<hbm>> -> memref<79x128xi32, #tpu.memory_space<hbm>>
      tpu.wait_dma2 semaphore(%run_scoped3A : memref<!tpu.dma_semaphore, #tpu.memory_space<semaphore_mem>>) src(%dma_wait3A_22 : memref<79x128xi32, #tpu.memory_space<hbm>>) dst(%arg7 : memref<79x128xi32, #tpu.memory_space<vmem>>)
      tpu.yield
    }) : () -> ()
    %barrier3A = arith.constant 0 : index
    tpu.barrier barrier_id(%barrier3A)
    %scan3A = arith.constant 0 : i32
    %scan3A_3 = arith.constant 0 : i32
    %scan3A_4 = arith.constant 79 : i32
    %scan3A_5 = arith.addi %scan3A_3, %scan3A_4 : i32
    %scan3A_6 = arith.constant 1 : i32
    scf.for %scan3A_9 = %scan3A_3 to %scan3A_5 step %scan3A_6  : i32 {
      "tpu.region"() ({
        %run_scoped3A = tpu.sem_alloc : memref<!tpu.dma_semaphore, #tpu.memory_space<semaphore_mem>>
        %dma_start3A = arith.constant 0 : i32
        %dma_start3A_10 = tpu.memref_slice %arg7[%scan3A_9, %dma_start3A] : memref<79x128xi32, #tpu.memory_space<vmem>> -> memref<1x128xi32, #tpu.memory_space<vmem>>
        %dma_start3A_11 = tpu.memref_squeeze %dma_start3A_10 : memref<1x128xi32, #tpu.memory_space<vmem>> -> memref<128xi32, #tpu.memory_space<vmem>>
        %dma_start3A_12 = arith.constant 0 : i32
        %dma_start3A_13 = arith.constant 0 : i32
        %dma_start3A_14 = tpu.memref_slice %arg6[%dma_start3A_12, %dma_start3A_13] : memref<10112x128xf32, #tpu.memory_space<vmem_shared>> -> memref<10112x128xf32, #tpu.memory_space<vmem_shared>>
        tpu.enqueue_indirect_dma source(%arg8 : memref<128x128xf32, #tpu.memory_space<vmem>>) target(%dma_start3A_14 : memref<10112x128xf32, #tpu.memory_space<vmem_shared>>) offsets(%dma_start3A_11 : memref<128xi32, #tpu.memory_space<vmem>>) semaphore(%run_scoped3A : memref<!tpu.dma_semaphore, #tpu.memory_space<semaphore_mem>>) {add = true}
        %dma_wait3A = arith.constant 0 : i32
        %dma_wait3A_15 = tpu.memref_slice %arg7[%scan3A_9, %dma_wait3A] : memref<79x128xi32, #tpu.memory_space<vmem>> -> memref<1x128xi32, #tpu.memory_space<vmem>>
        %dma_wait3A_16 = tpu.memref_squeeze %dma_wait3A_15 : memref<1x128xi32, #tpu.memory_space<vmem>> -> memref<128xi32, #tpu.memory_space<vmem>>
        %dma_wait3A_17 = arith.constant 0 : i32
        %dma_wait3A_18 = arith.constant 0 : i32
        %dma_wait3A_19 = tpu.memref_slice %arg6[%dma_wait3A_17, %dma_wait3A_18] : memref<10112x128xf32, #tpu.memory_space<vmem_shared>> -> memref<10112x128xf32, #tpu.memory_space<vmem_shared>>
        tpu.wait_indirect_dma semaphore(%run_scoped3A : memref<!tpu.dma_semaphore, #tpu.memory_space<semaphore_mem>>) src(%arg8 : memref<128x128xf32, #tpu.memory_space<vmem>>) dst(%dma_wait3A_19 : memref<10112x128xf32, #tpu.memory_space<vmem_shared>>)
        tpu.yield
      }) : () -> ()
    }
    %scan3A_7 = arith.constant 79 : i32
    %barrier3A_8 = arith.constant 0 : index
    tpu.barrier barrier_id(%barrier3A_8)
    "tpu.region"() ({
      %run_scoped3A = tpu.sem_alloc : memref<!tpu.dma_semaphore, #tpu.memory_space<semaphore_mem>>
      %dma_start3A = arith.constant 0 : i32
      %dma_start3A_9 = arith.constant 0 : i32
      %dma_start3A_10 = tpu.memref_slice %arg5[%arg0, %dma_start3A, %dma_start3A_9] : memref<2x10112x128xf32, #tpu.memory_space<hbm>> -> memref<1x10112x128xf32, #tpu.memory_space<hbm>>
      %dma_start3A_11 = tpu.memref_squeeze %dma_start3A_10 : memref<1x10112x128xf32, #tpu.memory_space<hbm>> -> memref<10112x128xf32, #tpu.memory_space<hbm>>
      %dma_start3A_12 = arith.constant 0 : i32
      %dma_start3A_13 = tpu.memref_slice %dma_start3A_11[%mul3A_2, %dma_start3A_12] : memref<10112x128xf32, #tpu.memory_space<hbm>> -> memref<632x128xf32, #tpu.memory_space<hbm>>
      %dma_start3A_14 = arith.constant 0 : i32
      %dma_start3A_15 = tpu.memref_slice %arg6[%mul3A_2, %dma_start3A_14] : memref<10112x128xf32, #tpu.memory_space<vmem_shared>> -> memref<632x128xf32, #tpu.memory_space<vmem_shared>>
      tpu.enqueue_dma source(%dma_start3A_15 : memref<632x128xf32, #tpu.memory_space<vmem_shared>>) target(%dma_start3A_13 : memref<632x128xf32, #tpu.memory_space<hbm>>) target_semaphore(%run_scoped3A : memref<!tpu.dma_semaphore, #tpu.memory_space<semaphore_mem>>)
      %dma_wait3A = arith.constant 0 : i32
      %dma_wait3A_16 = arith.constant 0 : i32
      %dma_wait3A_17 = tpu.memref_slice %arg5[%arg0, %dma_wait3A, %dma_wait3A_16] : memref<2x10112x128xf32, #tpu.memory_space<hbm>> -> memref<1x10112x128xf32, #tpu.memory_space<hbm>>
      %dma_wait3A_18 = tpu.memref_squeeze %dma_wait3A_17 : memref<1x10112x128xf32, #tpu.memory_space<hbm>> -> memref<10112x128xf32, #tpu.memory_space<hbm>>
      %dma_wait3A_19 = arith.constant 0 : i32
      %dma_wait3A_20 = tpu.memref_slice %dma_wait3A_18[%mul3A_2, %dma_wait3A_19] : memref<10112x128xf32, #tpu.memory_space<hbm>> -> memref<632x128xf32, #tpu.memory_space<hbm>>
      %dma_wait3A_21 = arith.constant 0 : i32
      %dma_wait3A_22 = tpu.memref_slice %arg6[%mul3A_2, %dma_wait3A_21] : memref<10112x128xf32, #tpu.memory_space<vmem_shared>> -> memref<632x128xf32, #tpu.memory_space<vmem_shared>>
      tpu.wait_dma2 semaphore(%run_scoped3A : memref<!tpu.dma_semaphore, #tpu.memory_space<semaphore_mem>>) src(%dma_wait3A_22 : memref<632x128xf32, #tpu.memory_space<vmem_shared>>) dst(%dma_wait3A_20 : memref<632x128xf32, #tpu.memory_space<hbm>>)
      tpu.yield
    }) : () -> ()
    return
  }
}

#map = affine_map<(d0, d1) -> (0, 0)>
#map1 = affine_map<(d0, d1) -> (0, 0, 0)>
module attributes {stable_mosaic.version = 14 : i64} {
  func.func @agg_kernel(%arg0: i32, %arg1: i32, %arg2: memref<10112x128xf32, #tpu.memory_space<hbm>>, %arg3: memref<32x79x128xi32, #tpu.memory_space<hbm>>, %arg4: memref<32x79x128xi32, #tpu.memory_space<hbm>>, %arg5: memref<10112x128xf32, #tpu.memory_space<hbm>>, %arg6: memref<2x10112x128xf32, #tpu.memory_space<hbm>>, %arg7: memref<10112x128xf32, #tpu.memory_space<vmem_shared>>, %arg8: memref<79x128xi32, #tpu.memory_space<vmem>>, %arg9: memref<79x128xi32, #tpu.memory_space<vmem>>, %arg10: memref<128x128xf32, #tpu.memory_space<vmem>>) attributes {dimension_semantics = [#tpu.dimension_semantics<core_parallel>, #tpu.dimension_semantics<subcore_parallel>], iteration_bounds = array<i64: 2, 16>, scalar_prefetch = 0 : i64, scratch_operands = 4 : i64, tpu.core_type = #tpu.core_type<sc_vector_subcore>, window_params = [{transform_indices = #map}, {transform_indices = #map1}, {transform_indices = #map1}, {transform_indices = #map}, {transform_indices = #map1}]} {
    %mul3A = arith.constant 2 : i32
    %mul3A_0 = arith.muli %arg1, %mul3A : i32
    %add3A = arith.addi %mul3A_0, %arg0 : i32
    %mul3A_1 = arith.constant 632 : i32
    %mul3A_2 = arith.muli %arg1, %mul3A_1 : i32
    "tpu.region"() ({
      %run_scoped3A = tpu.sem_alloc : memref<!tpu.dma_semaphore, #tpu.memory_space<semaphore_mem>>
      %dma_start3A = arith.constant 0 : i32
      %dma_start3A_9 = tpu.memref_slice %arg7[%mul3A_2, %dma_start3A] : memref<10112x128xf32, #tpu.memory_space<vmem_shared>> -> memref<632x128xf32, #tpu.memory_space<vmem_shared>>
      %dma_start3A_10 = arith.constant 0 : i32
      %dma_start3A_11 = tpu.memref_slice %arg5[%mul3A_2, %dma_start3A_10] : memref<10112x128xf32, #tpu.memory_space<hbm>> -> memref<632x128xf32, #tpu.memory_space<hbm>>
      tpu.enqueue_dma source(%dma_start3A_11 : memref<632x128xf32, #tpu.memory_space<hbm>>) target(%dma_start3A_9 : memref<632x128xf32, #tpu.memory_space<vmem_shared>>) target_semaphore(%run_scoped3A : memref<!tpu.dma_semaphore, #tpu.memory_space<semaphore_mem>>)
      %dma_wait3A = arith.constant 0 : i32
      %dma_wait3A_12 = tpu.memref_slice %arg7[%mul3A_2, %dma_wait3A] : memref<10112x128xf32, #tpu.memory_space<vmem_shared>> -> memref<632x128xf32, #tpu.memory_space<vmem_shared>>
      %dma_wait3A_13 = arith.constant 0 : i32
      %dma_wait3A_14 = tpu.memref_slice %arg5[%mul3A_2, %dma_wait3A_13] : memref<10112x128xf32, #tpu.memory_space<hbm>> -> memref<632x128xf32, #tpu.memory_space<hbm>>
      tpu.wait_dma2 semaphore(%run_scoped3A : memref<!tpu.dma_semaphore, #tpu.memory_space<semaphore_mem>>) src(%dma_wait3A_14 : memref<632x128xf32, #tpu.memory_space<hbm>>) dst(%dma_wait3A_12 : memref<632x128xf32, #tpu.memory_space<vmem_shared>>)
      tpu.yield
    }) : () -> ()
    "tpu.region"() ({
      %run_scoped3A = tpu.sem_alloc : memref<!tpu.dma_semaphore, #tpu.memory_space<semaphore_mem>>
      %dma_start3A = arith.constant 0 : i32
      %dma_start3A_9 = arith.constant 0 : i32
      %dma_start3A_10 = tpu.memref_slice %arg3[%add3A, %dma_start3A, %dma_start3A_9] : memref<32x79x128xi32, #tpu.memory_space<hbm>> -> memref<1x79x128xi32, #tpu.memory_space<hbm>>
      %dma_start3A_11 = tpu.memref_squeeze %dma_start3A_10 : memref<1x79x128xi32, #tpu.memory_space<hbm>> -> memref<79x128xi32, #tpu.memory_space<hbm>>
      %dma_start3A_12 = arith.constant 0 : i32
      %dma_start3A_13 = arith.constant 0 : i32
      %dma_start3A_14 = tpu.memref_slice %arg3[%add3A, %dma_start3A_12, %dma_start3A_13] : memref<32x79x128xi32, #tpu.memory_space<hbm>> -> memref<1x79x128xi32, #tpu.memory_space<hbm>>
      %dma_start3A_15 = tpu.memref_squeeze %dma_start3A_14 : memref<1x79x128xi32, #tpu.memory_space<hbm>> -> memref<79x128xi32, #tpu.memory_space<hbm>>
      tpu.enqueue_dma source(%dma_start3A_15 : memref<79x128xi32, #tpu.memory_space<hbm>>) target(%arg8 : memref<79x128xi32, #tpu.memory_space<vmem>>) target_semaphore(%run_scoped3A : memref<!tpu.dma_semaphore, #tpu.memory_space<semaphore_mem>>)
      %dma_wait3A = arith.constant 0 : i32
      %dma_wait3A_16 = arith.constant 0 : i32
      %dma_wait3A_17 = tpu.memref_slice %arg3[%add3A, %dma_wait3A, %dma_wait3A_16] : memref<32x79x128xi32, #tpu.memory_space<hbm>> -> memref<1x79x128xi32, #tpu.memory_space<hbm>>
      %dma_wait3A_18 = tpu.memref_squeeze %dma_wait3A_17 : memref<1x79x128xi32, #tpu.memory_space<hbm>> -> memref<79x128xi32, #tpu.memory_space<hbm>>
      %dma_wait3A_19 = arith.constant 0 : i32
      %dma_wait3A_20 = arith.constant 0 : i32
      %dma_wait3A_21 = tpu.memref_slice %arg3[%add3A, %dma_wait3A_19, %dma_wait3A_20] : memref<32x79x128xi32, #tpu.memory_space<hbm>> -> memref<1x79x128xi32, #tpu.memory_space<hbm>>
      %dma_wait3A_22 = tpu.memref_squeeze %dma_wait3A_21 : memref<1x79x128xi32, #tpu.memory_space<hbm>> -> memref<79x128xi32, #tpu.memory_space<hbm>>
      tpu.wait_dma2 semaphore(%run_scoped3A : memref<!tpu.dma_semaphore, #tpu.memory_space<semaphore_mem>>) src(%dma_wait3A_22 : memref<79x128xi32, #tpu.memory_space<hbm>>) dst(%arg8 : memref<79x128xi32, #tpu.memory_space<vmem>>)
      tpu.yield
    }) : () -> ()
    "tpu.region"() ({
      %run_scoped3A = tpu.sem_alloc : memref<!tpu.dma_semaphore, #tpu.memory_space<semaphore_mem>>
      %dma_start3A = arith.constant 0 : i32
      %dma_start3A_9 = arith.constant 0 : i32
      %dma_start3A_10 = tpu.memref_slice %arg4[%add3A, %dma_start3A, %dma_start3A_9] : memref<32x79x128xi32, #tpu.memory_space<hbm>> -> memref<1x79x128xi32, #tpu.memory_space<hbm>>
      %dma_start3A_11 = tpu.memref_squeeze %dma_start3A_10 : memref<1x79x128xi32, #tpu.memory_space<hbm>> -> memref<79x128xi32, #tpu.memory_space<hbm>>
      %dma_start3A_12 = arith.constant 0 : i32
      %dma_start3A_13 = arith.constant 0 : i32
      %dma_start3A_14 = tpu.memref_slice %arg4[%add3A, %dma_start3A_12, %dma_start3A_13] : memref<32x79x128xi32, #tpu.memory_space<hbm>> -> memref<1x79x128xi32, #tpu.memory_space<hbm>>
      %dma_start3A_15 = tpu.memref_squeeze %dma_start3A_14 : memref<1x79x128xi32, #tpu.memory_space<hbm>> -> memref<79x128xi32, #tpu.memory_space<hbm>>
      tpu.enqueue_dma source(%dma_start3A_15 : memref<79x128xi32, #tpu.memory_space<hbm>>) target(%arg9 : memref<79x128xi32, #tpu.memory_space<vmem>>) target_semaphore(%run_scoped3A : memref<!tpu.dma_semaphore, #tpu.memory_space<semaphore_mem>>)
      %dma_wait3A = arith.constant 0 : i32
      %dma_wait3A_16 = arith.constant 0 : i32
      %dma_wait3A_17 = tpu.memref_slice %arg4[%add3A, %dma_wait3A, %dma_wait3A_16] : memref<32x79x128xi32, #tpu.memory_space<hbm>> -> memref<1x79x128xi32, #tpu.memory_space<hbm>>
      %dma_wait3A_18 = tpu.memref_squeeze %dma_wait3A_17 : memref<1x79x128xi32, #tpu.memory_space<hbm>> -> memref<79x128xi32, #tpu.memory_space<hbm>>
      %dma_wait3A_19 = arith.constant 0 : i32
      %dma_wait3A_20 = arith.constant 0 : i32
      %dma_wait3A_21 = tpu.memref_slice %arg4[%add3A, %dma_wait3A_19, %dma_wait3A_20] : memref<32x79x128xi32, #tpu.memory_space<hbm>> -> memref<1x79x128xi32, #tpu.memory_space<hbm>>
      %dma_wait3A_22 = tpu.memref_squeeze %dma_wait3A_21 : memref<1x79x128xi32, #tpu.memory_space<hbm>> -> memref<79x128xi32, #tpu.memory_space<hbm>>
      tpu.wait_dma2 semaphore(%run_scoped3A : memref<!tpu.dma_semaphore, #tpu.memory_space<semaphore_mem>>) src(%dma_wait3A_22 : memref<79x128xi32, #tpu.memory_space<hbm>>) dst(%arg9 : memref<79x128xi32, #tpu.memory_space<vmem>>)
      tpu.yield
    }) : () -> ()
    %barrier3A = arith.constant 0 : index
    tpu.barrier barrier_id(%barrier3A)
    %scan3A = arith.constant 0 : i32
    %scan3A_3 = arith.constant 0 : i32
    %scan3A_4 = arith.constant 79 : i32
    %scan3A_5 = arith.addi %scan3A_3, %scan3A_4 : i32
    %scan3A_6 = arith.constant 1 : i32
    scf.for %scan3A_9 = %scan3A_3 to %scan3A_5 step %scan3A_6  : i32 {
      "tpu.region"() ({
        %run_scoped3A = tpu.sem_alloc : memref<!tpu.dma_semaphore, #tpu.memory_space<semaphore_mem>>
        %dma_start3A = arith.constant 0 : i32
        %dma_start3A_10 = tpu.memref_slice %arg8[%scan3A_9, %dma_start3A] : memref<79x128xi32, #tpu.memory_space<vmem>> -> memref<1x128xi32, #tpu.memory_space<vmem>>
        %dma_start3A_11 = tpu.memref_squeeze %dma_start3A_10 : memref<1x128xi32, #tpu.memory_space<vmem>> -> memref<128xi32, #tpu.memory_space<vmem>>
        %dma_start3A_12 = arith.constant 0 : i32
        %dma_start3A_13 = arith.constant 0 : i32
        %dma_start3A_14 = tpu.memref_slice %arg2[%dma_start3A_12, %dma_start3A_13] : memref<10112x128xf32, #tpu.memory_space<hbm>> -> memref<10112x128xf32, #tpu.memory_space<hbm>>
        tpu.enqueue_indirect_dma source(%dma_start3A_14 : memref<10112x128xf32, #tpu.memory_space<hbm>>) target(%arg10 : memref<128x128xf32, #tpu.memory_space<vmem>>) offsets(%dma_start3A_11 : memref<128xi32, #tpu.memory_space<vmem>>) semaphore(%run_scoped3A : memref<!tpu.dma_semaphore, #tpu.memory_space<semaphore_mem>>)
        %dma_wait3A = arith.constant 0 : i32
        %dma_wait3A_15 = tpu.memref_slice %arg8[%scan3A_9, %dma_wait3A] : memref<79x128xi32, #tpu.memory_space<vmem>> -> memref<1x128xi32, #tpu.memory_space<vmem>>
        %dma_wait3A_16 = tpu.memref_squeeze %dma_wait3A_15 : memref<1x128xi32, #tpu.memory_space<vmem>> -> memref<128xi32, #tpu.memory_space<vmem>>
        %dma_wait3A_17 = arith.constant 0 : i32
        %dma_wait3A_18 = arith.constant 0 : i32
        %dma_wait3A_19 = tpu.memref_slice %arg2[%dma_wait3A_17, %dma_wait3A_18] : memref<10112x128xf32, #tpu.memory_space<hbm>> -> memref<10112x128xf32, #tpu.memory_space<hbm>>
        tpu.wait_indirect_dma semaphore(%run_scoped3A : memref<!tpu.dma_semaphore, #tpu.memory_space<semaphore_mem>>) src(%dma_wait3A_19 : memref<10112x128xf32, #tpu.memory_space<hbm>>) dst(%arg10 : memref<128x128xf32, #tpu.memory_space<vmem>>)
        tpu.yield
      }) : () -> ()
      "tpu.region"() ({
        %run_scoped3A = tpu.sem_alloc : memref<!tpu.dma_semaphore, #tpu.memory_space<semaphore_mem>>
        %dma_start3A = arith.constant 0 : i32
        %dma_start3A_10 = tpu.memref_slice %arg9[%scan3A_9, %dma_start3A] : memref<79x128xi32, #tpu.memory_space<vmem>> -> memref<1x128xi32, #tpu.memory_space<vmem>>
        %dma_start3A_11 = tpu.memref_squeeze %dma_start3A_10 : memref<1x128xi32, #tpu.memory_space<vmem>> -> memref<128xi32, #tpu.memory_space<vmem>>
        %dma_start3A_12 = arith.constant 0 : i32
        %dma_start3A_13 = arith.constant 0 : i32
        %dma_start3A_14 = tpu.memref_slice %arg7[%dma_start3A_12, %dma_start3A_13] : memref<10112x128xf32, #tpu.memory_space<vmem_shared>> -> memref<10112x128xf32, #tpu.memory_space<vmem_shared>>
        tpu.enqueue_indirect_dma source(%arg10 : memref<128x128xf32, #tpu.memory_space<vmem>>) target(%dma_start3A_14 : memref<10112x128xf32, #tpu.memory_space<vmem_shared>>) offsets(%dma_start3A_11 : memref<128xi32, #tpu.memory_space<vmem>>) semaphore(%run_scoped3A : memref<!tpu.dma_semaphore, #tpu.memory_space<semaphore_mem>>) {add = true}
        %dma_wait3A = arith.constant 0 : i32
        %dma_wait3A_15 = tpu.memref_slice %arg9[%scan3A_9, %dma_wait3A] : memref<79x128xi32, #tpu.memory_space<vmem>> -> memref<1x128xi32, #tpu.memory_space<vmem>>
        %dma_wait3A_16 = tpu.memref_squeeze %dma_wait3A_15 : memref<1x128xi32, #tpu.memory_space<vmem>> -> memref<128xi32, #tpu.memory_space<vmem>>
        %dma_wait3A_17 = arith.constant 0 : i32
        %dma_wait3A_18 = arith.constant 0 : i32
        %dma_wait3A_19 = tpu.memref_slice %arg7[%dma_wait3A_17, %dma_wait3A_18] : memref<10112x128xf32, #tpu.memory_space<vmem_shared>> -> memref<10112x128xf32, #tpu.memory_space<vmem_shared>>
        tpu.wait_indirect_dma semaphore(%run_scoped3A : memref<!tpu.dma_semaphore, #tpu.memory_space<semaphore_mem>>) src(%arg10 : memref<128x128xf32, #tpu.memory_space<vmem>>) dst(%dma_wait3A_19 : memref<10112x128xf32, #tpu.memory_space<vmem_shared>>)
        tpu.yield
      }) : () -> ()
    }
    %scan3A_7 = arith.constant 79 : i32
    %barrier3A_8 = arith.constant 0 : index
    tpu.barrier barrier_id(%barrier3A_8)
    "tpu.region"() ({
      %run_scoped3A = tpu.sem_alloc : memref<!tpu.dma_semaphore, #tpu.memory_space<semaphore_mem>>
      %dma_start3A = arith.constant 0 : i32
      %dma_start3A_9 = arith.constant 0 : i32
      %dma_start3A_10 = tpu.memref_slice %arg6[%arg0, %dma_start3A, %dma_start3A_9] : memref<2x10112x128xf32, #tpu.memory_space<hbm>> -> memref<1x10112x128xf32, #tpu.memory_space<hbm>>
      %dma_start3A_11 = tpu.memref_squeeze %dma_start3A_10 : memref<1x10112x128xf32, #tpu.memory_space<hbm>> -> memref<10112x128xf32, #tpu.memory_space<hbm>>
      %dma_start3A_12 = arith.constant 0 : i32
      %dma_start3A_13 = tpu.memref_slice %dma_start3A_11[%mul3A_2, %dma_start3A_12] : memref<10112x128xf32, #tpu.memory_space<hbm>> -> memref<632x128xf32, #tpu.memory_space<hbm>>
      %dma_start3A_14 = arith.constant 0 : i32
      %dma_start3A_15 = tpu.memref_slice %arg7[%mul3A_2, %dma_start3A_14] : memref<10112x128xf32, #tpu.memory_space<vmem_shared>> -> memref<632x128xf32, #tpu.memory_space<vmem_shared>>
      tpu.enqueue_dma source(%dma_start3A_15 : memref<632x128xf32, #tpu.memory_space<vmem_shared>>) target(%dma_start3A_13 : memref<632x128xf32, #tpu.memory_space<hbm>>) target_semaphore(%run_scoped3A : memref<!tpu.dma_semaphore, #tpu.memory_space<semaphore_mem>>)
      %dma_wait3A = arith.constant 0 : i32
      %dma_wait3A_16 = arith.constant 0 : i32
      %dma_wait3A_17 = tpu.memref_slice %arg6[%arg0, %dma_wait3A, %dma_wait3A_16] : memref<2x10112x128xf32, #tpu.memory_space<hbm>> -> memref<1x10112x128xf32, #tpu.memory_space<hbm>>
      %dma_wait3A_18 = tpu.memref_squeeze %dma_wait3A_17 : memref<1x10112x128xf32, #tpu.memory_space<hbm>> -> memref<10112x128xf32, #tpu.memory_space<hbm>>
      %dma_wait3A_19 = arith.constant 0 : i32
      %dma_wait3A_20 = tpu.memref_slice %dma_wait3A_18[%mul3A_2, %dma_wait3A_19] : memref<10112x128xf32, #tpu.memory_space<hbm>> -> memref<632x128xf32, #tpu.memory_space<hbm>>
      %dma_wait3A_21 = arith.constant 0 : i32
      %dma_wait3A_22 = tpu.memref_slice %arg7[%mul3A_2, %dma_wait3A_21] : memref<10112x128xf32, #tpu.memory_space<vmem_shared>> -> memref<632x128xf32, #tpu.memory_space<vmem_shared>>
      tpu.wait_dma2 semaphore(%run_scoped3A : memref<!tpu.dma_semaphore, #tpu.memory_space<semaphore_mem>>) src(%dma_wait3A_22 : memref<632x128xf32, #tpu.memory_space<vmem_shared>>) dst(%dma_wait3A_20 : memref<632x128xf32, #tpu.memory_space<hbm>>)
      tpu.yield
    }) : () -> ()
    return
  }
}

#map = affine_map<(d0, d1) -> (0, 0)>
#map1 = affine_map<(d0, d1) -> (0, 0, 0)>
module attributes {stable_mosaic.version = 14 : i64} {
  func.func @agg_kernel(%arg0: i32, %arg1: i32, %arg2: memref<10112x128xf32, #tpu.memory_space<hbm>>, %arg3: memref<32x79x128xi32, #tpu.memory_space<hbm>>, %arg4: memref<32x79x128xi32, #tpu.memory_space<hbm>>, %arg5: memref<10112x128xf32, #tpu.memory_space<hbm>>, %arg6: memref<2x10112x128xf32, #tpu.memory_space<hbm>>, %arg7: memref<10112x128xf32, #tpu.memory_space<vmem_shared>>, %arg8: memref<79x128xi32, #tpu.memory_space<vmem>>, %arg9: memref<79x128xi32, #tpu.memory_space<vmem>>, %arg10: memref<128x128xf32, #tpu.memory_space<vmem>>) attributes {dimension_semantics = [#tpu.dimension_semantics<core_parallel>, #tpu.dimension_semantics<subcore_parallel>], iteration_bounds = array<i64: 2, 16>, scalar_prefetch = 0 : i64, scratch_operands = 4 : i64, tpu.core_type = #tpu.core_type<sc_vector_subcore>, window_params = [{transform_indices = #map}, {transform_indices = #map1}, {transform_indices = #map1}, {transform_indices = #map}, {transform_indices = #map1}]} {
    %mul3A = arith.constant 2 : i32
    %mul3A_0 = arith.muli %arg1, %mul3A : i32
    %add3A = arith.addi %mul3A_0, %arg0 : i32
    %mul3A_1 = arith.constant 632 : i32
    %mul3A_2 = arith.muli %arg1, %mul3A_1 : i32
    "tpu.region"() ({
      %run_scoped3A = tpu.sem_alloc : memref<!tpu.dma_semaphore, #tpu.memory_space<semaphore_mem>>
      %dma_start3A = arith.constant 0 : i32
      %dma_start3A_9 = tpu.memref_slice %arg7[%mul3A_2, %dma_start3A] : memref<10112x128xf32, #tpu.memory_space<vmem_shared>> -> memref<632x128xf32, #tpu.memory_space<vmem_shared>>
      %dma_start3A_10 = arith.constant 0 : i32
      %dma_start3A_11 = tpu.memref_slice %arg5[%mul3A_2, %dma_start3A_10] : memref<10112x128xf32, #tpu.memory_space<hbm>> -> memref<632x128xf32, #tpu.memory_space<hbm>>
      tpu.enqueue_dma source(%dma_start3A_11 : memref<632x128xf32, #tpu.memory_space<hbm>>) target(%dma_start3A_9 : memref<632x128xf32, #tpu.memory_space<vmem_shared>>) target_semaphore(%run_scoped3A : memref<!tpu.dma_semaphore, #tpu.memory_space<semaphore_mem>>)
      %dma_wait3A = arith.constant 0 : i32
      %dma_wait3A_12 = tpu.memref_slice %arg7[%mul3A_2, %dma_wait3A] : memref<10112x128xf32, #tpu.memory_space<vmem_shared>> -> memref<632x128xf32, #tpu.memory_space<vmem_shared>>
      %dma_wait3A_13 = arith.constant 0 : i32
      %dma_wait3A_14 = tpu.memref_slice %arg5[%mul3A_2, %dma_wait3A_13] : memref<10112x128xf32, #tpu.memory_space<hbm>> -> memref<632x128xf32, #tpu.memory_space<hbm>>
      tpu.wait_dma2 semaphore(%run_scoped3A : memref<!tpu.dma_semaphore, #tpu.memory_space<semaphore_mem>>) src(%dma_wait3A_14 : memref<632x128xf32, #tpu.memory_space<hbm>>) dst(%dma_wait3A_12 : memref<632x128xf32, #tpu.memory_space<vmem_shared>>)
      tpu.yield
    }) : () -> ()
    "tpu.region"() ({
      %run_scoped3A = tpu.sem_alloc : memref<!tpu.dma_semaphore, #tpu.memory_space<semaphore_mem>>
      %dma_start3A = arith.constant 0 : i32
      %dma_start3A_9 = arith.constant 0 : i32
      %dma_start3A_10 = tpu.memref_slice %arg3[%add3A, %dma_start3A, %dma_start3A_9] : memref<32x79x128xi32, #tpu.memory_space<hbm>> -> memref<1x79x128xi32, #tpu.memory_space<hbm>>
      %dma_start3A_11 = tpu.memref_squeeze %dma_start3A_10 : memref<1x79x128xi32, #tpu.memory_space<hbm>> -> memref<79x128xi32, #tpu.memory_space<hbm>>
      %dma_start3A_12 = arith.constant 0 : i32
      %dma_start3A_13 = arith.constant 0 : i32
      %dma_start3A_14 = tpu.memref_slice %arg3[%add3A, %dma_start3A_12, %dma_start3A_13] : memref<32x79x128xi32, #tpu.memory_space<hbm>> -> memref<1x79x128xi32, #tpu.memory_space<hbm>>
      %dma_start3A_15 = tpu.memref_squeeze %dma_start3A_14 : memref<1x79x128xi32, #tpu.memory_space<hbm>> -> memref<79x128xi32, #tpu.memory_space<hbm>>
      tpu.enqueue_dma source(%dma_start3A_15 : memref<79x128xi32, #tpu.memory_space<hbm>>) target(%arg8 : memref<79x128xi32, #tpu.memory_space<vmem>>) target_semaphore(%run_scoped3A : memref<!tpu.dma_semaphore, #tpu.memory_space<semaphore_mem>>)
      %dma_wait3A = arith.constant 0 : i32
      %dma_wait3A_16 = arith.constant 0 : i32
      %dma_wait3A_17 = tpu.memref_slice %arg3[%add3A, %dma_wait3A, %dma_wait3A_16] : memref<32x79x128xi32, #tpu.memory_space<hbm>> -> memref<1x79x128xi32, #tpu.memory_space<hbm>>
      %dma_wait3A_18 = tpu.memref_squeeze %dma_wait3A_17 : memref<1x79x128xi32, #tpu.memory_space<hbm>> -> memref<79x128xi32, #tpu.memory_space<hbm>>
      %dma_wait3A_19 = arith.constant 0 : i32
      %dma_wait3A_20 = arith.constant 0 : i32
      %dma_wait3A_21 = tpu.memref_slice %arg3[%add3A, %dma_wait3A_19, %dma_wait3A_20] : memref<32x79x128xi32, #tpu.memory_space<hbm>> -> memref<1x79x128xi32, #tpu.memory_space<hbm>>
      %dma_wait3A_22 = tpu.memref_squeeze %dma_wait3A_21 : memref<1x79x128xi32, #tpu.memory_space<hbm>> -> memref<79x128xi32, #tpu.memory_space<hbm>>
      tpu.wait_dma2 semaphore(%run_scoped3A : memref<!tpu.dma_semaphore, #tpu.memory_space<semaphore_mem>>) src(%dma_wait3A_22 : memref<79x128xi32, #tpu.memory_space<hbm>>) dst(%arg8 : memref<79x128xi32, #tpu.memory_space<vmem>>)
      tpu.yield
    }) : () -> ()
    "tpu.region"() ({
      %run_scoped3A = tpu.sem_alloc : memref<!tpu.dma_semaphore, #tpu.memory_space<semaphore_mem>>
      %dma_start3A = arith.constant 0 : i32
      %dma_start3A_9 = arith.constant 0 : i32
      %dma_start3A_10 = tpu.memref_slice %arg4[%add3A, %dma_start3A, %dma_start3A_9] : memref<32x79x128xi32, #tpu.memory_space<hbm>> -> memref<1x79x128xi32, #tpu.memory_space<hbm>>
      %dma_start3A_11 = tpu.memref_squeeze %dma_start3A_10 : memref<1x79x128xi32, #tpu.memory_space<hbm>> -> memref<79x128xi32, #tpu.memory_space<hbm>>
      %dma_start3A_12 = arith.constant 0 : i32
      %dma_start3A_13 = arith.constant 0 : i32
      %dma_start3A_14 = tpu.memref_slice %arg4[%add3A, %dma_start3A_12, %dma_start3A_13] : memref<32x79x128xi32, #tpu.memory_space<hbm>> -> memref<1x79x128xi32, #tpu.memory_space<hbm>>
      %dma_start3A_15 = tpu.memref_squeeze %dma_start3A_14 : memref<1x79x128xi32, #tpu.memory_space<hbm>> -> memref<79x128xi32, #tpu.memory_space<hbm>>
      tpu.enqueue_dma source(%dma_start3A_15 : memref<79x128xi32, #tpu.memory_space<hbm>>) target(%arg9 : memref<79x128xi32, #tpu.memory_space<vmem>>) target_semaphore(%run_scoped3A : memref<!tpu.dma_semaphore, #tpu.memory_space<semaphore_mem>>)
      %dma_wait3A = arith.constant 0 : i32
      %dma_wait3A_16 = arith.constant 0 : i32
      %dma_wait3A_17 = tpu.memref_slice %arg4[%add3A, %dma_wait3A, %dma_wait3A_16] : memref<32x79x128xi32, #tpu.memory_space<hbm>> -> memref<1x79x128xi32, #tpu.memory_space<hbm>>
      %dma_wait3A_18 = tpu.memref_squeeze %dma_wait3A_17 : memref<1x79x128xi32, #tpu.memory_space<hbm>> -> memref<79x128xi32, #tpu.memory_space<hbm>>
      %dma_wait3A_19 = arith.constant 0 : i32
      %dma_wait3A_20 = arith.constant 0 : i32
      %dma_wait3A_21 = tpu.memref_slice %arg4[%add3A, %dma_wait3A_19, %dma_wait3A_20] : memref<32x79x128xi32, #tpu.memory_space<hbm>> -> memref<1x79x128xi32, #tpu.memory_space<hbm>>
      %dma_wait3A_22 = tpu.memref_squeeze %dma_wait3A_21 : memref<1x79x128xi32, #tpu.memory_space<hbm>> -> memref<79x128xi32, #tpu.memory_space<hbm>>
      tpu.wait_dma2 semaphore(%run_scoped3A : memref<!tpu.dma_semaphore, #tpu.memory_space<semaphore_mem>>) src(%dma_wait3A_22 : memref<79x128xi32, #tpu.memory_space<hbm>>) dst(%arg9 : memref<79x128xi32, #tpu.memory_space<vmem>>)
      tpu.yield
    }) : () -> ()
    %barrier3A = arith.constant 0 : index
    tpu.barrier barrier_id(%barrier3A)
    %scan3A = arith.constant 0 : i32
    %scan3A_3 = arith.constant 0 : i32
    %scan3A_4 = arith.constant 79 : i32
    %scan3A_5 = arith.addi %scan3A_3, %scan3A_4 : i32
    %scan3A_6 = arith.constant 1 : i32
    scf.for %scan3A_9 = %scan3A_3 to %scan3A_5 step %scan3A_6  : i32 {
      "tpu.region"() ({
        %run_scoped3A = tpu.sem_alloc : memref<!tpu.dma_semaphore, #tpu.memory_space<semaphore_mem>>
        %dma_start3A = arith.constant 0 : i32
        %dma_start3A_10 = tpu.memref_slice %arg8[%scan3A_9, %dma_start3A] : memref<79x128xi32, #tpu.memory_space<vmem>> -> memref<1x128xi32, #tpu.memory_space<vmem>>
        %dma_start3A_11 = tpu.memref_squeeze %dma_start3A_10 : memref<1x128xi32, #tpu.memory_space<vmem>> -> memref<128xi32, #tpu.memory_space<vmem>>
        %dma_start3A_12 = arith.constant 0 : i32
        %dma_start3A_13 = arith.constant 0 : i32
        %dma_start3A_14 = tpu.memref_slice %arg2[%dma_start3A_12, %dma_start3A_13] : memref<10112x128xf32, #tpu.memory_space<hbm>> -> memref<10112x128xf32, #tpu.memory_space<hbm>>
        tpu.enqueue_indirect_dma source(%dma_start3A_14 : memref<10112x128xf32, #tpu.memory_space<hbm>>) target(%arg10 : memref<128x128xf32, #tpu.memory_space<vmem>>) offsets(%dma_start3A_11 : memref<128xi32, #tpu.memory_space<vmem>>) semaphore(%run_scoped3A : memref<!tpu.dma_semaphore, #tpu.memory_space<semaphore_mem>>)
        %dma_wait3A = arith.constant 0 : i32
        %dma_wait3A_15 = tpu.memref_slice %arg8[%scan3A_9, %dma_wait3A] : memref<79x128xi32, #tpu.memory_space<vmem>> -> memref<1x128xi32, #tpu.memory_space<vmem>>
        %dma_wait3A_16 = tpu.memref_squeeze %dma_wait3A_15 : memref<1x128xi32, #tpu.memory_space<vmem>> -> memref<128xi32, #tpu.memory_space<vmem>>
        %dma_wait3A_17 = arith.constant 0 : i32
        %dma_wait3A_18 = arith.constant 0 : i32
        %dma_wait3A_19 = tpu.memref_slice %arg2[%dma_wait3A_17, %dma_wait3A_18] : memref<10112x128xf32, #tpu.memory_space<hbm>> -> memref<10112x128xf32, #tpu.memory_space<hbm>>
        tpu.wait_indirect_dma semaphore(%run_scoped3A : memref<!tpu.dma_semaphore, #tpu.memory_space<semaphore_mem>>) src(%dma_wait3A_19 : memref<10112x128xf32, #tpu.memory_space<hbm>>) dst(%arg10 : memref<128x128xf32, #tpu.memory_space<vmem>>)
        tpu.yield
      }) : () -> ()
      "tpu.region"() ({
        %run_scoped3A = tpu.sem_alloc : memref<!tpu.dma_semaphore, #tpu.memory_space<semaphore_mem>>
        %dma_start3A = arith.constant 0 : i32
        %dma_start3A_10 = tpu.memref_slice %arg9[%scan3A_9, %dma_start3A] : memref<79x128xi32, #tpu.memory_space<vmem>> -> memref<1x128xi32, #tpu.memory_space<vmem>>
        %dma_start3A_11 = tpu.memref_squeeze %dma_start3A_10 : memref<1x128xi32, #tpu.memory_space<vmem>> -> memref<128xi32, #tpu.memory_space<vmem>>
        %dma_start3A_12 = arith.constant 0 : i32
        %dma_start3A_13 = arith.constant 0 : i32
        %dma_start3A_14 = tpu.memref_slice %arg7[%dma_start3A_12, %dma_start3A_13] : memref<10112x128xf32, #tpu.memory_space<vmem_shared>> -> memref<10112x128xf32, #tpu.memory_space<vmem_shared>>
        tpu.enqueue_indirect_dma source(%arg10 : memref<128x128xf32, #tpu.memory_space<vmem>>) target(%dma_start3A_14 : memref<10112x128xf32, #tpu.memory_space<vmem_shared>>) offsets(%dma_start3A_11 : memref<128xi32, #tpu.memory_space<vmem>>) semaphore(%run_scoped3A : memref<!tpu.dma_semaphore, #tpu.memory_space<semaphore_mem>>) {add = true}
        %dma_wait3A = arith.constant 0 : i32
        %dma_wait3A_15 = tpu.memref_slice %arg9[%scan3A_9, %dma_wait3A] : memref<79x128xi32, #tpu.memory_space<vmem>> -> memref<1x128xi32, #tpu.memory_space<vmem>>
        %dma_wait3A_16 = tpu.memref_squeeze %dma_wait3A_15 : memref<1x128xi32, #tpu.memory_space<vmem>> -> memref<128xi32, #tpu.memory_space<vmem>>
        %dma_wait3A_17 = arith.constant 0 : i32
        %dma_wait3A_18 = arith.constant 0 : i32
        %dma_wait3A_19 = tpu.memref_slice %arg7[%dma_wait3A_17, %dma_wait3A_18] : memref<10112x128xf32, #tpu.memory_space<vmem_shared>> -> memref<10112x128xf32, #tpu.memory_space<vmem_shared>>
        tpu.wait_indirect_dma semaphore(%run_scoped3A : memref<!tpu.dma_semaphore, #tpu.memory_space<semaphore_mem>>) src(%arg10 : memref<128x128xf32, #tpu.memory_space<vmem>>) dst(%dma_wait3A_19 : memref<10112x128xf32, #tpu.memory_space<vmem_shared>>)
        tpu.yield
      }) : () -> ()
    }
    %scan3A_7 = arith.constant 79 : i32
    %barrier3A_8 = arith.constant 0 : index
    tpu.barrier barrier_id(%barrier3A_8)
    "tpu.region"() ({
      %run_scoped3A = tpu.sem_alloc : memref<!tpu.dma_semaphore, #tpu.memory_space<semaphore_mem>>
      %dma_start3A = arith.constant 0 : i32
      %dma_start3A_9 = arith.constant 0 : i32
      %dma_start3A_10 = tpu.memref_slice %arg6[%arg0, %dma_start3A, %dma_start3A_9] : memref<2x10112x128xf32, #tpu.memory_space<hbm>> -> memref<1x10112x128xf32, #tpu.memory_space<hbm>>
      %dma_start3A_11 = tpu.memref_squeeze %dma_start3A_10 : memref<1x10112x128xf32, #tpu.memory_space<hbm>> -> memref<10112x128xf32, #tpu.memory_space<hbm>>
      %dma_start3A_12 = arith.constant 0 : i32
      %dma_start3A_13 = tpu.memref_slice %dma_start3A_11[%mul3A_2, %dma_start3A_12] : memref<10112x128xf32, #tpu.memory_space<hbm>> -> memref<632x128xf32, #tpu.memory_space<hbm>>
      %dma_start3A_14 = arith.constant 0 : i32
      %dma_start3A_15 = tpu.memref_slice %arg7[%mul3A_2, %dma_start3A_14] : memref<10112x128xf32, #tpu.memory_space<vmem_shared>> -> memref<632x128xf32, #tpu.memory_space<vmem_shared>>
      tpu.enqueue_dma source(%dma_start3A_15 : memref<632x128xf32, #tpu.memory_space<vmem_shared>>) target(%dma_start3A_13 : memref<632x128xf32, #tpu.memory_space<hbm>>) target_semaphore(%run_scoped3A : memref<!tpu.dma_semaphore, #tpu.memory_space<semaphore_mem>>)
      %dma_wait3A = arith.constant 0 : i32
      %dma_wait3A_16 = arith.constant 0 : i32
      %dma_wait3A_17 = tpu.memref_slice %arg6[%arg0, %dma_wait3A, %dma_wait3A_16] : memref<2x10112x128xf32, #tpu.memory_space<hbm>> -> memref<1x10112x128xf32, #tpu.memory_space<hbm>>
      %dma_wait3A_18 = tpu.memref_squeeze %dma_wait3A_17 : memref<1x10112x128xf32, #tpu.memory_space<hbm>> -> memref<10112x128xf32, #tpu.memory_space<hbm>>
      %dma_wait3A_19 = arith.constant 0 : i32
      %dma_wait3A_20 = tpu.memref_slice %dma_wait3A_18[%mul3A_2, %dma_wait3A_19] : memref<10112x128xf32, #tpu.memory_space<hbm>> -> memref<632x128xf32, #tpu.memory_space<hbm>>
      %dma_wait3A_21 = arith.constant 0 : i32
      %dma_wait3A_22 = tpu.memref_slice %arg7[%mul3A_2, %dma_wait3A_21] : memref<10112x128xf32, #tpu.memory_space<vmem_shared>> -> memref<632x128xf32, #tpu.memory_space<vmem_shared>>
      tpu.wait_dma2 semaphore(%run_scoped3A : memref<!tpu.dma_semaphore, #tpu.memory_space<semaphore_mem>>) src(%dma_wait3A_22 : memref<632x128xf32, #tpu.memory_space<vmem_shared>>) dst(%dma_wait3A_20 : memref<632x128xf32, #tpu.memory_space<hbm>>)
      tpu.yield
    }) : () -> ()
    return
  }
}

module attributes {stable_mosaic.version = 14 : i64} {
  func.func @_tc_mm_body(%arg0: memref<10000x128xf32, #tpu.memory_space<vmem>>, %arg1: memref<128x128xf32, #tpu.memory_space<vmem>>, %arg2: memref<10000x128xf32, #tpu.memory_space<vmem>>) attributes {dimension_semantics = [], scalar_prefetch = 0 : i64, scratch_operands = 0 : i64, tpu.core_type = #tpu.core_type<tc>} {
    %get3A = arith.constant 0 : index
    %get3A_0 = arith.constant 0 : index
    %get3A_1 = vector.load %arg0[%get3A, %get3A_0] : memref<10000x128xf32, #tpu.memory_space<vmem>>, vector<10000x128xf32>
    %get3A_2 = arith.constant 0 : index
    %get3A_3 = arith.constant 0 : index
    %get3A_4 = vector.load %arg1[%get3A_2, %get3A_3] : memref<128x128xf32, #tpu.memory_space<vmem>>, vector<128x128xf32>
    %dot_general3A = arith.constant dense<0.000000e+00> : vector<10000x128xf32>
    %dot_general3A_5 = tpu.matmul %get3A_1, %get3A_4, %dot_general3A {dimension_numbers = #tpu.dot_dimension_numbers<[1], [0], [0], [1], [0, 0, 1, 1], [], []>, transpose_lhs_hint = false} : vector<10000x128xf32>, vector<128x128xf32>, vector<10000x128xf32> -> vector<10000x128xf32>
    %swap3A = arith.constant 0 : index
    %swap3A_6 = arith.constant 0 : index
    %swap3A_7 = vector.load %arg2[%swap3A, %swap3A_6] : memref<10000x128xf32, #tpu.memory_space<vmem>>, vector<10000x128xf32>
    tpu.vector_store %arg2[%swap3A, %swap3A_6], %dot_general3A_5 {strides = array<i32>} : memref<10000x128xf32, #tpu.memory_space<vmem>>, vector<10000x128xf32>,
    return
  }
}

module attributes {stable_mosaic.version = 14 : i64} {
  func.func @_tc_pre_body(%arg0: memref<2x10112x8xf32, #tpu.memory_space<vmem>>, %arg1: memref<10000x128xf32, #tpu.memory_space<vmem>>, %arg2: memref<10112x128xf32, #tpu.memory_space<vmem>>) attributes {dimension_semantics = [], scalar_prefetch = 0 : i64, scratch_operands = 0 : i64, tpu.core_type = #tpu.core_type<tc>} {
    %get3A = arith.constant 0 : index
    %get3A_0 = arith.constant 0 : index
    %get3A_1 = arith.constant 0 : index
    %get3A_2 = vector.load %arg0[%get3A, %get3A_0, %get3A_1] : memref<2x10112x8xf32, #tpu.memory_space<vmem>>, vector<1x10112x1xf32>
    %get3A_3 = vector.shape_cast %get3A_2 : vector<1x10112x1xf32> to vector<10112x1xf32>
    %get3A_4 = arith.constant 1 : index
    %get3A_5 = arith.constant 0 : index
    %get3A_6 = arith.constant 0 : index
    %get3A_7 = vector.load %arg0[%get3A_4, %get3A_5, %get3A_6] : memref<2x10112x8xf32, #tpu.memory_space<vmem>>, vector<1x10112x1xf32>
    %get3A_8 = vector.shape_cast %get3A_7 : vector<1x10112x1xf32> to vector<10112x1xf32>
    %add3A = arith.addf %get3A_3, %get3A_8 : vector<10112x1xf32>
    %add3A_9 = arith.constant 1.000000e+00 : f32
    %add3A_10 = vector.broadcast %add3A_9 : f32 to vector<10112x1xf32>
    %add3A_11 = arith.addf %add3A, %add3A_10 : vector<10112x1xf32>
    %rsqrt3A = math.rsqrt %add3A_11 : vector<10112x1xf32>
    %slice3A = vector.extract_strided_slice %rsqrt3A {offsets = [0, 0], sizes = [10000, 1], strides = [1, 1]} : vector<10112x1xf32> to vector<10000x1xf32>
    %get3A_12 = arith.constant 0 : index
    %get3A_13 = arith.constant 0 : index
    %get3A_14 = vector.load %arg1[%get3A_12, %get3A_13] : memref<10000x128xf32, #tpu.memory_space<vmem>>, vector<10000x128xf32>
    %mul3A = vector.broadcast %slice3A : vector<10000x1xf32> to vector<10000x128xf32>
    %mul3A_15 = arith.mulf %mul3A, %get3A_14 : vector<10000x128xf32>
    %swap3A = arith.constant 0 : index
    %swap3A_16 = arith.constant 0 : index
    %swap3A_17 = vector.load %arg2[%swap3A, %swap3A_16] : memref<10112x128xf32, #tpu.memory_space<vmem>>, vector<10000x128xf32>
    tpu.vector_store %arg2[%swap3A, %swap3A_16], %mul3A_15 {strides = array<i32>} : memref<10112x128xf32, #tpu.memory_space<vmem>>, vector<10000x128xf32>,
    %broadcast_in_dim3A = arith.constant 0.000000e+00 : f32
    %broadcast_in_dim3A_18 = vector.broadcast %broadcast_in_dim3A : f32 to vector<112x128xf32>
    %swap3A_19 = arith.constant 10000 : index
    %swap3A_20 = arith.constant 0 : index
    %swap3A_21 = vector.load %arg2[%swap3A_19, %swap3A_20] : memref<10112x128xf32, #tpu.memory_space<vmem>>, vector<112x128xf32>
    tpu.vector_store %arg2[%swap3A_19, %swap3A_20], %broadcast_in_dim3A_18 {strides = array<i32>} : memref<10112x128xf32, #tpu.memory_space<vmem>>, vector<112x128xf32>,
    return
  }
}

module attributes {stable_mosaic.version = 14 : i64} {
  func.func @_tc_mid_body(%arg0: memref<2x10112x128xf32, #tpu.memory_space<vmem>>, %arg1: memref<10112x128xf32, #tpu.memory_space<vmem>>, %arg2: memref<2x10112x8xf32, #tpu.memory_space<vmem>>, %arg3: memref<1x128xf32, #tpu.memory_space<vmem>>, %arg4: memref<128x128xf32, #tpu.memory_space<vmem>>, %arg5: memref<10112x128xf32, #tpu.memory_space<vmem>>) attributes {dimension_semantics = [], scalar_prefetch = 0 : i64, scratch_operands = 0 : i64, tpu.core_type = #tpu.core_type<tc>} {
    %get3A = arith.constant 0 : index
    %get3A_0 = arith.constant 0 : index
    %get3A_1 = arith.constant 0 : index
    %get3A_2 = vector.load %arg2[%get3A, %get3A_0, %get3A_1] : memref<2x10112x8xf32, #tpu.memory_space<vmem>>, vector<1x10112x1xf32>
    %get3A_3 = vector.shape_cast %get3A_2 : vector<1x10112x1xf32> to vector<10112x1xf32>
    %get3A_4 = arith.constant 1 : index
    %get3A_5 = arith.constant 0 : index
    %get3A_6 = arith.constant 0 : index
    %get3A_7 = vector.load %arg2[%get3A_4, %get3A_5, %get3A_6] : memref<2x10112x8xf32, #tpu.memory_space<vmem>>, vector<1x10112x1xf32>
    %get3A_8 = vector.shape_cast %get3A_7 : vector<1x10112x1xf32> to vector<10112x1xf32>
    %add3A = arith.addf %get3A_3, %get3A_8 : vector<10112x1xf32>
    %add3A_9 = arith.constant 1.000000e+00 : f32
    %add3A_10 = vector.broadcast %add3A_9 : f32 to vector<10112x1xf32>
    %add3A_11 = arith.addf %add3A, %add3A_10 : vector<10112x1xf32>
    %rsqrt3A = math.rsqrt %add3A_11 : vector<10112x1xf32>
    %get3A_12 = arith.constant 0 : index
    %get3A_13 = arith.constant 0 : index
    %get3A_14 = arith.constant 0 : index
    %get3A_15 = vector.load %arg0[%get3A_12, %get3A_13, %get3A_14] : memref<2x10112x128xf32, #tpu.memory_space<vmem>>, vector<1x10112x128xf32>
    %get3A_16 = vector.shape_cast %get3A_15 : vector<1x10112x128xf32> to vector<10112x128xf32>
    %get3A_17 = arith.constant 1 : index
    %get3A_18 = arith.constant 0 : index
    %get3A_19 = arith.constant 0 : index
    %get3A_20 = vector.load %arg0[%get3A_17, %get3A_18, %get3A_19] : memref<2x10112x128xf32, #tpu.memory_space<vmem>>, vector<1x10112x128xf32>
    %get3A_21 = vector.shape_cast %get3A_20 : vector<1x10112x128xf32> to vector<10112x128xf32>
    %add3A_22 = arith.addf %get3A_16, %get3A_21 : vector<10112x128xf32>
    %get3A_23 = arith.constant 0 : index
    %get3A_24 = arith.constant 0 : index
    %get3A_25 = vector.load %arg1[%get3A_23, %get3A_24] : memref<10112x128xf32, #tpu.memory_space<vmem>>, vector<10112x128xf32>
    %add3A_26 = arith.addf %add3A_22, %get3A_25 : vector<10112x128xf32>
    %mul3A = vector.broadcast %rsqrt3A : vector<10112x1xf32> to vector<10112x128xf32>
    %mul3A_27 = arith.mulf %add3A_26, %mul3A : vector<10112x128xf32>
    %get3A_28 = arith.constant 0 : index
    %get3A_29 = arith.constant 0 : index
    %get3A_30 = vector.load %arg3[%get3A_28, %get3A_29] : memref<1x128xf32, #tpu.memory_space<vmem>>, vector<1x128xf32>
    %add3A_31 = vector.broadcast %get3A_30 : vector<1x128xf32> to vector<10112x128xf32>
    %add3A_32 = arith.addf %mul3A_27, %add3A_31 : vector<10112x128xf32>
    %max3A = arith.constant 0.000000e+00 : f32
    %max3A_33 = vector.broadcast %max3A : f32 to vector<10112x128xf32>
    %max3A_34 = arith.maximumf %add3A_32, %max3A_33 : vector<10112x128xf32>
    %get3A_35 = arith.constant 0 : index
    %get3A_36 = arith.constant 0 : index
    %get3A_37 = vector.load %arg4[%get3A_35, %get3A_36] : memref<128x128xf32, #tpu.memory_space<vmem>>, vector<128x128xf32>
    %dot_general3A = arith.constant dense<0.000000e+00> : vector<10112x128xf32>
    %dot_general3A_38 = tpu.matmul %max3A_34, %get3A_37, %dot_general3A {dimension_numbers = #tpu.dot_dimension_numbers<[1], [0], [0], [1], [0, 0, 1, 1], [], []>, transpose_lhs_hint = false} : vector<10112x128xf32>, vector<128x128xf32>, vector<10112x128xf32> -> vector<10112x128xf32>
    %mul3A_39 = vector.broadcast %rsqrt3A : vector<10112x1xf32> to vector<10112x128xf32>
    %mul3A_40 = arith.mulf %mul3A_39, %dot_general3A_38 : vector<10112x128xf32>
    %swap3A = arith.constant 0 : index
    %swap3A_41 = arith.constant 0 : index
    %swap3A_42 = vector.load %arg5[%swap3A, %swap3A_41] : memref<10112x128xf32, #tpu.memory_space<vmem>>, vector<10112x128xf32>
    tpu.vector_store %arg5[%swap3A, %swap3A_41], %mul3A_40 {strides = array<i32>} : memref<10112x128xf32, #tpu.memory_space<vmem>>, vector<10112x128xf32>,
    %broadcast_in_dim3A = arith.constant 0.000000e+00 : f32
    %broadcast_in_dim3A_43 = vector.broadcast %broadcast_in_dim3A : f32 to vector<112x128xf32>
    %swap3A_44 = arith.constant 10000 : index
    %swap3A_45 = arith.constant 0 : index
    %swap3A_46 = vector.load %arg5[%swap3A_44, %swap3A_45] : memref<10112x128xf32, #tpu.memory_space<vmem>>, vector<112x128xf32>
    tpu.vector_store %arg5[%swap3A_44, %swap3A_45], %broadcast_in_dim3A_43 {strides = array<i32>} : memref<10112x128xf32, #tpu.memory_space<vmem>>, vector<112x128xf32>,
    return
  }
}

module attributes {stable_mosaic.version = 14 : i64} {
  func.func @_tc_fin_body(%arg0: memref<2x10112x128xf32, #tpu.memory_space<vmem>>, %arg1: memref<10112x128xf32, #tpu.memory_space<vmem>>, %arg2: memref<2x10112x8xf32, #tpu.memory_space<vmem>>, %arg3: memref<1x128xf32, #tpu.memory_space<vmem>>, %arg4: memref<1x10000xi32, #tpu.memory_space<vmem>>, %arg5: memref<128x40xf32, #tpu.memory_space<vmem>>, %arg6: memref<1x40xf32, #tpu.memory_space<vmem>>, %arg7: memref<64x40xf32, #tpu.memory_space<vmem>>) attributes {dimension_semantics = [], scalar_prefetch = 0 : i64, scratch_operands = 0 : i64, tpu.core_type = #tpu.core_type<tc>} {
    %get3A = arith.constant 0 : index
    %get3A_0 = arith.constant 0 : index
    %get3A_1 = arith.constant 0 : index
    %get3A_2 = vector.load %arg2[%get3A, %get3A_0, %get3A_1] : memref<2x10112x8xf32, #tpu.memory_space<vmem>>, vector<1x10112x1xf32>
    %get3A_3 = vector.shape_cast %get3A_2 : vector<1x10112x1xf32> to vector<10112x1xf32>
    %get3A_4 = arith.constant 1 : index
    %get3A_5 = arith.constant 0 : index
    %get3A_6 = arith.constant 0 : index
    %get3A_7 = vector.load %arg2[%get3A_4, %get3A_5, %get3A_6] : memref<2x10112x8xf32, #tpu.memory_space<vmem>>, vector<1x10112x1xf32>
    %get3A_8 = vector.shape_cast %get3A_7 : vector<1x10112x1xf32> to vector<10112x1xf32>
    %add3A = arith.addf %get3A_3, %get3A_8 : vector<10112x1xf32>
    %add3A_9 = arith.constant 1.000000e+00 : f32
    %add3A_10 = vector.broadcast %add3A_9 : f32 to vector<10112x1xf32>
    %add3A_11 = arith.addf %add3A, %add3A_10 : vector<10112x1xf32>
    %rsqrt3A = math.rsqrt %add3A_11 : vector<10112x1xf32>
    %get3A_12 = arith.constant 0 : index
    %get3A_13 = arith.constant 0 : index
    %get3A_14 = arith.constant 0 : index
    %get3A_15 = vector.load %arg0[%get3A_12, %get3A_13, %get3A_14] : memref<2x10112x128xf32, #tpu.memory_space<vmem>>, vector<1x10112x128xf32>
    %get3A_16 = vector.shape_cast %get3A_15 : vector<1x10112x128xf32> to vector<10112x128xf32>
    %get3A_17 = arith.constant 1 : index
    %get3A_18 = arith.constant 0 : index
    %get3A_19 = arith.constant 0 : index
    %get3A_20 = vector.load %arg0[%get3A_17, %get3A_18, %get3A_19] : memref<2x10112x128xf32, #tpu.memory_space<vmem>>, vector<1x10112x128xf32>
    %get3A_21 = vector.shape_cast %get3A_20 : vector<1x10112x128xf32> to vector<10112x128xf32>
    %add3A_22 = arith.addf %get3A_16, %get3A_21 : vector<10112x128xf32>
    %get3A_23 = arith.constant 0 : index
    %get3A_24 = arith.constant 0 : index
    %get3A_25 = vector.load %arg1[%get3A_23, %get3A_24] : memref<10112x128xf32, #tpu.memory_space<vmem>>, vector<10112x128xf32>
    %add3A_26 = arith.addf %add3A_22, %get3A_25 : vector<10112x128xf32>
    %mul3A = vector.broadcast %rsqrt3A : vector<10112x1xf32> to vector<10112x128xf32>
    %mul3A_27 = arith.mulf %add3A_26, %mul3A : vector<10112x128xf32>
    %get3A_28 = arith.constant 0 : index
    %get3A_29 = arith.constant 0 : index
    %get3A_30 = vector.load %arg3[%get3A_28, %get3A_29] : memref<1x128xf32, #tpu.memory_space<vmem>>, vector<1x128xf32>
    %add3A_31 = vector.broadcast %get3A_30 : vector<1x128xf32> to vector<10112x128xf32>
    %add3A_32 = arith.addf %mul3A_27, %add3A_31 : vector<10112x128xf32>
    %max3A = arith.constant 0.000000e+00 : f32
    %max3A_33 = vector.broadcast %max3A : f32 to vector<10112x128xf32>
    %max3A_34 = arith.maximumf %add3A_32, %max3A_33 : vector<10112x128xf32>
    %slice3A = vector.extract_strided_slice %max3A_34 {offsets = [0, 0], sizes = [10000, 128], strides = [1, 1]} : vector<10112x128xf32> to vector<10000x128xf32>
    %iota3A = tpu.iota {dimensions = array<i32: 0>} : vector<64x10000xi32>
    %get3A_35 = arith.constant 0 : index
    %get3A_36 = arith.constant 0 : index
    %get3A_37 = vector.load %arg4[%get3A_35, %get3A_36] : memref<1x10000xi32, #tpu.memory_space<vmem>>, vector<1x10000xi32>
    %eq3A = vector.broadcast %get3A_37 : vector<1x10000xi32> to vector<64x10000xi32>
    %eq3A_38 = arith.cmpi eq, %iota3A, %eq3A : vector<64x10000xi32>
    %convert_element_type3A = arith.extui %eq3A_38 : vector<64x10000xi1> to vector<64x10000xi32>
    %convert_element_type3A_39 = arith.sitofp %convert_element_type3A : vector<64x10000xi32> to vector<64x10000xf32>
    %dot_general3A = arith.constant dense<0.000000e+00> : vector<64x128xf32>
    %dot_general3A_40 = tpu.matmul %convert_element_type3A_39, %slice3A, %dot_general3A {dimension_numbers = #tpu.dot_dimension_numbers<[1], [0], [0], [1], [0, 0, 1, 1], [], []>, transpose_lhs_hint = false} : vector<64x10000xf32>, vector<10000x128xf32>, vector<64x128xf32> -> vector<64x128xf32>
    %reduce_sum3A = arith.constant dense<0.000000e+00> : vector<64xf32>
    %reduce_sum3A_41 = vector.multi_reduction <add>, %convert_element_type3A_39, %reduce_sum3A [1] : vector<64x10000xf32> to vector<64xf32>
    %broadcast_in_dim3A = vector.shape_cast %reduce_sum3A_41 : vector<64xf32> to vector<64x1xf32>
    %max3A_42 = arith.constant 1.000000e+00 : f32
    %max3A_43 = vector.broadcast %max3A_42 : f32 to vector<64x1xf32>
    %max3A_44 = arith.maximumf %broadcast_in_dim3A, %max3A_43 : vector<64x1xf32>
    %div3A = vector.broadcast %max3A_44 : vector<64x1xf32> to vector<64x128xf32>
    %div3A_45 = arith.divf %dot_general3A_40, %div3A : vector<64x128xf32>
    %get3A_46 = arith.constant 0 : index
    %get3A_47 = arith.constant 0 : index
    %get3A_48 = vector.load %arg5[%get3A_46, %get3A_47] : memref<128x40xf32, #tpu.memory_space<vmem>>, vector<128x40xf32>
    %dot_general3A_49 = arith.constant dense<0.000000e+00> : vector<64x40xf32>
    %dot_general3A_50 = tpu.matmul %div3A_45, %get3A_48, %dot_general3A_49 {dimension_numbers = #tpu.dot_dimension_numbers<[1], [0], [0], [1], [0, 0, 1, 1], [], []>, transpose_lhs_hint = false} : vector<64x128xf32>, vector<128x40xf32>, vector<64x40xf32> -> vector<64x40xf32>
    %get3A_51 = arith.constant 0 : index
    %get3A_52 = arith.constant 0 : index
    %get3A_53 = vector.load %arg6[%get3A_51, %get3A_52] : memref<1x40xf32, #tpu.memory_space<vmem>>, vector<1x40xf32>
    %add3A_54 = vector.broadcast %get3A_53 : vector<1x40xf32> to vector<64x40xf32>
    %add3A_55 = arith.addf %dot_general3A_50, %add3A_54 : vector<64x40xf32>
    %swap3A = arith.constant 0 : index
    %swap3A_56 = arith.constant 0 : index
    %swap3A_57 = vector.load %arg7[%swap3A, %swap3A_56] : memref<64x40xf32, #tpu.memory_space<vmem>>, vector<64x40xf32>
    tpu.vector_store %arg7[%swap3A, %swap3A_56], %add3A_55 {strides = array<i32>} : memref<64x40xf32, #tpu.memory_space<vmem>>, vector<64x40xf32>,
    return
  }
}

</mosaic_0001>

<sc_bundles>
// kernel: kernel.11.cloned.1.call-start
scs
__scs_entry_jumppad:
0x0: {  	(pc) =	sbr.rel $0x88, $3  }
0x1: {  	(tag) =	ssettag $0x0;
	lr =	simm.s32 $0x1  }
0x2: {  	[smem:$0x3F96] =	sst lr;
	_ =	strace $0xD0000000  }
0x3: {  	_ = 	snop  }
0x4: {  	_ = 	snop  }
0x5: {  	_ = 	snop  }
0x6: {  	_ = 	snop  }
0x7: {  	_ = 	snop  }
__scs_overlays_trampoline_lowered:
0x8: {  	[smem:$0x3FA5] =	sst s0  }
0x9: {  	[smem:$0x3FA6] =	sst s1  }
0xa: {  	[smem:$0x3FA7] =	sst s2  }
0xb: {  	[smem:$0x3FA8] =	sst s3  }
0xc: {  	[smem:$0x3FA9] =	sst s4  }
0xd: {  	[smem:$0x3FAA] =	sst s5  }
0xe: {  	[smem:$0x3FAB] =	sst s6  }
0xf: {  	[smem:$0x3FAC] =	sst s7  }
0x10: {  	[smem:$0x3FAD] =	sst s8  }
0x11: {  	[smem:$0x3FAE] =	sst s9;
	s0 =	simm.s32 @!p0 $0x0  }
0x12: {  	s1 =	sld [smem:$0x3F94];
	s0 =	simm.s32 @p0 $0x1  }
0x13: {  	[smem:$0x3FAF] =	sst s0;
	s0 =	simm.s32 @!p1 $0x0  }
0x14: {  	s2 =	sld [smem:$0x3F93];
	s0 =	simm.s32 @p1 $0x1  }
0x15: {  	[smem:$0x3FB0] =	sst s0;
	s0 =	simm.s32 @!p2 $0x0  }
0x16: {  	s3 =	sld [smem:$0x3FDB];
	s0 =	simm.s32 @p2 $0x1  }
0x17: {  	s4 =	simm.s32 $0x1BF5;
	[smem:$0x3FB2] =	sst s0  }
0x18: {  	s0 =	sld [smem:$0x3F95];
	_ =	swait.ge [sflag:s4], $0x0  }
0x19: {  	s7 =	sld [smem:$0x3F96]  }
0x1a: {  	s8 =	sadd.s32 $0xFFFFE003, lr  }
0x1b: {  	s9 =	sadd.s32 $0xFFFFFEF7, lr;
	s5 =	simm.s32 $0xFFFFFFFF;
	p2 =	slt.u32 s8, $0xFFFFF086  }
0x1c: {  	p1 =	slt.u32 s9, $0xF7A;
	s5 =	simm.s32 @!p2 $0x0  }
0x1d: {  	s5 =	simm.s32 @p1 $0x1;
	p0 =	seq.s32 s7, s2  }
0x1e: {  	s7 =	smul.u32 @!p0 $0xF7A, s2;
	p2 =	seq.s32 @!p0 s5, $0x0  }
0x1f: {  	s9 =	smul.u32 $0xF7A, s1;
	s8 =	simm.s32 @!p0 $0x1BF5;
	p2 =	por !p2, p0  }
0x20: {  	[sflag:s8] =	ssyncset.s32 @!p0 $0xFFFFF086;
	s6 =	sadd.s32 @!p0 s3, s7;
	s7 =	simm.s32 @!p0 $0x108  }
0x21: {  	s3 =	sadd.s32 s3, s9;
	s6 =	sadd.s32 @!p0 $0x88, s6;
	s7 =	simm.s32 @p2 $0x1082  }
0x22: {  	[simem:s7], [sflag:s8] =	dma.local @!p0 [hbm:s6], $0xF7A  }
0x23: {  	s9 =	sor.u32 $0xD0000000, s2;
	s6 =	simm.s32 $0x108;
	_ =	swait.ge @!p0 [sflag:s8], $0x0  }
0x24: {  	s3 =	sadd.s32 $0x88, s3;
	s6 =	simm.s32 @!p1 $0x1082;
	[sflag:s4] =	ssyncset.s32 $0xFFFFF086  }
0x25: {  	[simem:s6], [sflag:s4] =	dma.local [hbm:s3], $0xF7A  }
0x26: {  	[smem:$0x3F96] =	sst s1;
	(tag) =	ssettag s2;
	_ =	strace s9  }
0x27: {  	s1 =	sld [smem:$0x3FA6]  }
0x28: {  	s2 =	sld [smem:$0x3FA7]  }
0x29: {  	s4 =	sld [smem:$0x3FA9]  }
0x2a: {  	p0 =	seq.s32 s5, $0x0;
	s5 =	sld [smem:$0x3FAA]  }
0x2b: {  	s6 =	sld [smem:$0x3FAB]  }
0x2c: {  	s7 =	sld [smem:$0x3FAC]  }
0x2d: {  	s3 =	simm.s32 $0x108;
	s8 =	sld [smem:$0x3FAD]  }
0x2e: {  	s3 =	simm.s32 @!p0 $0x1082;
	s9 =	sld [smem:$0x3FAE]  }
0x2f: {  	lr =	sadd.s32 s0, s3;
	s0 =	sld [smem:$0x3FA5]  }
0x30: {  	s3 =	sld [smem:$0x3FA8]  }
0x31: {  	[smem:$0x3FB1] =	sst s10  }
0x32: {  	s10 =	sld [smem:$0x3FAF];
	_ =	sdelay $0x3  }
0x33: {  	p0 =	seq.s32 s10, $0x1;
	s10 =	sld [smem:$0x3FB1];
	_ =	sdelay $0x3  }
0x34: {  	[smem:$0x3FB1] =	sst s10  }
0x35: {  	s10 =	sld [smem:$0x3FB0];
	_ =	sdelay $0x3  }
0x36: {  	p1 =	seq.s32 s10, $0x1;
	s10 =	sld [smem:$0x3FB1];
	_ =	sdelay $0x3  }
0x37: {  	[smem:$0x3FB1] =	sst s10  }
0x38: {  	s10 =	sld [smem:$0x3FB2]  }
0x39: {  	_ = 	snop;
	(pc) =	sbr.ind lr, $3  }
0x3a: {  	_ = 	snop  }
0x3b: {  	_ = 	snop  }
0x3c: {  	p2 =	seq.s32 s10, $0x1;
	s10 =	sld [smem:$0x3FB1]  }
0x3d: {  	_ =	shalt  }
0x3e: {  	_ =	shalt  }
0x3f: {  	_ =	shalt  }
0x40: {  	_ =	shalt  }
0x41: {  	_ =	shalt  }
0x42: {  	_ =	shalt  }
0x43: {  	_ =	shalt  }
0x44: {  	_ =	shalt  }
0x45: {  	_ =	shalt  }
0x46: {  	_ =	shalt  }
0x47: {  	_ =	shalt  }
0x48: {  	_ =	shalt  }
0x49: {  	_ =	shalt  }
0x4a: {  	_ =	shalt  }
0x4b: {  	_ =	shalt  }
0x4c: {  	_ =	shalt  }
0x4d: {  	_ =	shalt  }
0x4e: {  	_ =	shalt  }
0x4f: {  	_ =	shalt  }
0x50: {  	_ =	shalt  }
0x51: {  	_ =	shalt  }
0x52: {  	_ =	shalt  }
0x53: {  	_ =	shalt  }
0x54: {  	_ =	shalt  }
0x55: {  	_ =	shalt  }
0x56: {  	_ =	shalt  }
0x57: {  	_ =	shalt  }
0x58: {  	_ =	shalt  }
0x59: {  	_ =	shalt  }
0x5a: {  	_ =	shalt  }
0x5b: {  	_ =	shalt  }
0x5c: {  	_ =	shalt  }
0x5d: {  	_ =	shalt  }
0x5e: {  	_ =	shalt  }
0x5f: {  	_ =	shalt  }
0x60: {  	_ =	shalt  }
0x61: {  	_ =	shalt  }
0x62: {  	_ =	shalt  }
0x63: {  	_ =	shalt  }
0x64: {  	_ =	shalt  }
0x65: {  	_ =	shalt  }
0x66: {  	_ =	shalt  }
0x67: {  	_ =	shalt  }
0x68: {  	_ =	shalt  }
0x69: {  	_ =	shalt  }
0x6a: {  	_ =	shalt  }
0x6b: {  	_ =	shalt  }
0x6c: {  	_ =	shalt  }
0x6d: {  	_ =	shalt  }
0x6e: {  	_ =	shalt  }
0x6f: {  	_ =	shalt  }
0x70: {  	_ =	shalt  }
0x71: {  	_ =	shalt  }
0x72: {  	_ =	shalt  }
0x73: {  	_ =	shalt  }
0x74: {  	_ =	shalt  }
0x75: {  	_ =	shalt  }
0x76: {  	_ =	shalt  }
0x77: {  	_ =	shalt  }
0x78: {  	_ =	shalt  }
0x79: {  	_ =	shalt  }
0x7a: {  	_ =	shalt  }
0x7b: {  	_ =	shalt  }
0x7c: {  	_ =	shalt  }
0x7d: {  	_ =	shalt  }
0x7e: {  	_ =	shalt  }
0x7f: {  	_ =	shalt  }
0x80: {  	_ =	shalt  }
0x81: {  	_ =	shalt  }
0x82: {  	_ =	shalt  }
0x83: {  	_ =	shalt  }
0x84: {  	_ =	shalt  }
0x85: {  	_ =	shalt  }
0x86: {  	_ =	shalt  }
0x87: {  	_ =	shalt  }
.Lfunc_end0:
.L_simem_size_0:
called_computation_lowered:
.L_overlay_start_0:
0x88: {  	s2 =	sld [smem:$0x3FD9]  }
0x89: {  	s3 =	sld [smem:$0x3FFE];
	_ =	sdelay $0x1  }
0x8a: {  	s1 =	srdreg.scid  }
0x8b: {  	s0 =	sand.u32 $0x1, s1  }
0x8c: {  	s16 =	sshll.u32 s0, $0xA;
	s2 =	sadd.s32 s3, s2  }
0x8d: {  	s2 =	sadd.s32 s2, s16  }
0x8e: {  	[smem:$0x3FBD] =	sst s2  }
0x8f: {  	_ = 	snop  }
0x90: {  	(tm) =	ssettm $0x1  }
0x91: {  	s17 =	sld [smem:$0x3FFB];
	_ =	sdelay $0x3  }
0x92: {  	_ =	strace s17  }
0x93: {  	s2 =	sld [smem:$0x3FFC];
	_ =	sdelay $0x3  }
0x94: {  	_ =	strace s2  }
0x95: {  	s2 =	sld [smem:$0x3FFD];
	_ =	sdelay $0x3  }
0x96: {  	_ =	strace s2  }
0x97: {  	_ =	strace $0x8FFFFFFF  }
0x98: {  	s18 =	sld [smem:$0x3FDB];
	_ =	sdelay $0x1  }
0x99: {  	s19 =	simm.s32 $_scs_section_size  }
0x9a: {  	s4 =	simm.s32 $_size__tile_overlayer_lowered;
	s5 =	simm.s32 $_tile_overlayer_lowered  }
0x9b: {  	s22 =	simm.s32 $0x1BFF;
	s21 =	sshll.u32 s5, $0x1;
	s2 =	sadd.s32 s19, s18  }
0x9c: {  	s6 =	simm.s32 $0x0;
	s20 =	sshll.u32 s4, $0x1;
	s4 =	sadd.s32 s21, s2  }
0x9d: {  	[timem:s6], [sflag:s22] =	dma.local [hbm:s4], s20  }
0x9e: {  	_ =	swait.ge [sflag:s22], s20  }
0x9f: {  	s3 =	ssub.s32 $0x0, s20;
	[sflag:s22] =	ssyncset.done $0x0  }
0xa0: {  	[sflag:s22] =	ssyncadd.s32 s3;
	_ =	sdelay $0x1  }
0xa1: {  	s23 =	simm.s32 $0x1B8B  }
0xa2: {  	_ =	swait.ge [sflag:s23], $0x1  }
0xa3: {  	[sflag:s23] =	ssyncset.done $0x0  }
0xa4: {  	s25 =	simm.s32 $0x1B8E;
	s24 =	sld [smem:$0x3FFE];
	[sflag:s23] =	ssyncadd.s32 $0xFFFFFFFF  }
0xa5: {  	s26 =	simm.s32 $execute0_lowered;
	[smem:$0x3FD2] =	sst s25  }
0xa6: {  	s4 =	sshll.u32 s26, $0x1;
	_ =	strace $0x80000046;
	[dreg:$0x1] =	wrdreg $0xFFFFFFFF  }
0xa7: {  	s28 =	simm.s32 $_size_execute0_lowered;
	s2 =	sadd.s32 s2, s4;
	[dreg:$0x0] =	wrdreg $0x0  }
0xa8: {  	s4 =	sshll.u32 s28, $0x1;
	[dreg:$0x2] =	wrdreg s2  }
0xa9: {  	[dreg:$0x3] =	wrdreg s4  }
0xaa: {  	[dreg:$0x4] =	wrdreg $0xC0  }
0xab: {  	_ =	task [dreg:s6], $0x5FFFF  }
0xac: {  	[dreg:$0x1] =	wrdreg $0xFFFFFFFF  }
0xad: {  	[dreg:$0x0] =	wrdreg $0x60  }
0xae: {  	[dreg:$0x2] =	wrdreg s24  }
0xaf: {  	[dreg:$0x3] =	wrdreg $0x0  }
0xb0: {  	[dreg:$0x4] =	wrdreg $0x9  }
0xb1: {  	_ =	task.clear_ibuf [dreg:s6], $0x5FFFF;
	_ =	strace $0x90000046  }
0xb2: {  	s29 =	simm.s32 $0x9;
	_ =	strace $0x80000048  }
0xb3: {  	_ =	swait.ge [sflag:s29], $0x1  }
0xb4: {  	[sflag:s29] =	ssyncadd.s32 $0xFFFFFFFF  }
0xb5: {  	_ =	strace $0x90000048  }
0xb6: {  	_ =	sfence  }
0xb7: {  	s30 =	sld [smem:$0x0];
	_ =	sdelay $0x2  }
0xb8: {  	s31 =	sshll.u32 s1, $0xD;
	s1 =	sshrl.u32 s1, $0x2  }
0xb9: {  	s3 =	sand.u32 $0x4000, s31;
	s1 =	sadd.s32 s1, s30  }
0xba: {  	s0 =	sor.u32 s3, s0;
	s1 =	sshll.u32 s1, $0x11  }
0xbb: {  	s0 =	sor.u32 s1, s0  }
0xbc: {  	s0 =	sadd.s32 $0x8F2B, s0  }
0xbd: {  	[sflag:s0] =	ssyncadd.remote.s32 $0x1  }
0xbe: {  	_ =	sfence.sel $0xFFFF  }
0xbf: {  	[dreg:$0x0] =	wrdreg $0xFFFFFFFF;
	(pc) =	sbr.abs _section_cstart, $3  }
0xc0: {  	[dreg:$0x1] =	wrdreg $0xFFFFFFFF  }
0xc1: {  	_ =	task.clear_ibuf [dreg:s6], $0x2FFFF;
	_ =	strace $0x9FFFFFFF  }
0xc2: {  	(tm) =	ssettm $0x7FFFFFFF  }
0xc3: {  	_ =	shalt  }
tec
execute0_lowered:
.L_overlay_start_1:
0x0: {  	(tag) =	ssettag $0x1  }
0x1: {  	s1 =	srdreg.scid;
	s6 =	rddreg [dreg:$0x0]  }
0x2: {  	s0 =	stileid.u32;
	s2 =	rddreg [dreg:$0x1]  }
0x3: {  	s3 =	simm.s32 $0x0;
	s13 =	simm.s32 $0x80;
	s14 =	smul.u32 $0x2780, s0  }
0x4: {  	s5 =	sand.u32 $0x1, s1;
	s26 =	sshll.u32 s0, $0x1;
	s9 =	smul.u32 $0x4F000, s0  }
0x5: {  	[smem:$0x7FF] =	sst s3;
	s1 =	sor.u32 s5, s26;
	s7 =	smul.u32 $0x27800, s5  }
0x6: {  	s31 =	sshll.u32 s0, $0x6;
	s5 =	ssub.s32 $0x2, s5;
	s4 =	smul.u32 $0x500, s1  }
0x7: {  	s1 =	rddreg [dreg:$0x2];
	_ =	strace $0x80000047;
	s10 =	sadd.s32 s14, s6  }
0x8: {  	s28 =	sshrl.u32 s5, $0x1;
	s29 =	sshrl.u32 s9, $0x2;
	s11 =	sadd.s32 s7, s6  }
0x9: {  	s30 =	ssub.s32 s5, s28;
	s12 =	sadd.s32 s29, s2;
	s5 =	sadd.s32 $0xD600, s10  }
0xa: {  	s10 =	simm.s32 $0x1;
	s8 =	sadd.s32 s4, s6;
	s4 =	sadd.s32 $0x34E00, s6  }
0xb: {  	s6 =	sor.u32 $0x1C01, s31;
	s15 =	sadd.s32 $0x35600, s11;
	s9 =	sshrl.u32 s12, $0x3  }
0xc: {  	s11 =	simm.s32 $0x16400;
	s12 =	simm.s32 $0x13C00;
	s7 =	sadd.s32 $0x3600, s8  }
0xd: {  	s8 =	smax.u32 s30, $0x1;
	s14 =	sadd.s32 s14, s15;
	s15 =	simm.s32 $0x0  }
.LBB2_1:
0xe: {  	[spmem:s9], [sflag:s6] =	dma.local [hbm:s5], $0x2780  }
0xf: {  	_ =	swait.ge [sflag:s10], $0x2780  }
0x10: {  	[sflag:s10] =	ssyncset.done $0x0  }
0x11: {  	[sflag:s10] =	ssyncadd.s32 $0xFFFFD880  }
0x12: {  	[tilespmem:s11], [sflag:$0x1] =	stream.linear.gather [hbm4b:s4+s3], $0x4000, $0x38;
	[tilespmem:$0x1A400] =	vst v63  }
0x13: {  	_ =	swait.ge [sflag:s10], $0x4000  }
0x14: {  	[sflag:s10] =	ssyncset.done $0x0  }
0x15: {  	[sflag:s10] =	ssyncadd.s32 $0xFFFFC000  }
0x16: {  	[tilespmem:s12], [sflag:$0x1] =	stream.linear.gather [hbm4b:s7+s3], $0x2780, $0x38;
	[tilespmem:$0x1A400] =	vst v63  }
0x17: {  	_ =	swait.ge [sflag:s10], $0x2780  }
0x18: {  	[sflag:s10] =	ssyncset.done $0x0  }
0x19: {  	[sflag:s10] =	ssyncadd.s32 $0xFFFFD880  }
0x1a: {  	s16 =	simm.s32 $0x13C00;
	[bflag:$0x0] =	sbarrier.arrive $0xFFFF  }
0x1b: {  	[spmem:s2] =	stream.indirect.scatter.add.f32 [tilespmem:s11], [sflag:$0x1], $0x80, s16, s13, $0xb8;
	[tilespmem:$0x1A400] =	vst v63  }
0x1c: {  	s16 =	simm.s32 $0x200;
	_ =	swait.ge [sflag:s10], $0x4000  }
.LBB2_2:
0x1d: {  	s17 =	sshra.s32 s16, $0x2;
	[sflag:s10] =	ssyncset.done $0x0;
	p0 =	sne.s32 s16, $0x9C00  }
.Ltmp0:
0x1e: {  	s17 =	sadd.s32 $0x13C00, s17;
	[sflag:s10] =	ssyncadd.s32 $0xFFFFC000;
	(pc) =	sbr.rel @p0 .LBB2_2-.Ltmp0, $3  }
0x1f: {  	[spmem:s2] =	stream.indirect.scatter.add.f32 [tilespmem:s11], [sflag:$0x1], $0x80, s17, s13, $0xb8;
	[tilespmem:$0x1A400] =	vst v63  }
0x20: {  	s16 =	sadd.s32 $0x200, s16;
	_ =	sdelay $0x1  }
0x21: {  	_ =	swait.ge [sflag:s10], $0x4000  }
0x22: {  	[sflag:s10] =	ssyncset.done $0x0;
	s15 =	sadd.s32 $0x1, s15  }
0x23: {  	[sflag:s10] =	ssyncadd.s32 $0xFFFFC000;
	p0 =	sne.s32 s15, s8  }
.Ltmp1:
0x24: {  	[bflag:$0x0] =	sbarrier.arrive $0xFFFF;
	(pc) =	sbr.rel @p0 .LBB2_1-.Ltmp1, $4  }
0x25: {  	[hbm:s14], [sflag:s6] =	dma.local [spmem:s9], $0x2780  }
0x26: {  	_ =	swait.ge [sflag:s10], $0x2780  }
0x27: {  	[sflag:s10] =	ssyncset.done $0x0  }
0x28: {  	[sflag:s10] =	ssyncadd.s32 $0xFFFFD880  }
0x29: {  	_ =	sfence.sel $0x180000  }
0x2a: {  	[bflag:$0x0] =	sbarrier.arrive $0xFFFF  }
0x2b: {  	p0 =	sne.s32 s0, $0x0;
	_ =	strace $0x90000047  }
0x2c: {  	s0 =	sadd.s32 @!p0 $0x100000, s1;
	[bflag:$0x2] =	sbarrier.arrive $0xFFFF  }
0x2d: {  	[sflag:s0] =	ssyncadd.tile.s32 @!p0 $0x1;
	_ =	shalt  }
.Lfunc_end2:
_tile_overlayer_lowered:
.L_overlay_start_2:
0x2e: {  	(tag) =	ssettag $0x2  }
0x2f: {  	s0 =	rddreg [dreg:$0x0];
	s2 =	stileid.u32  }
0x30: {  	s1 =	rddreg [dreg:$0x1];
	p0 =	sne.s32 s2, $0x0  }
0x31: {  	s3 =	rddreg [dreg:$0x2];
	[bflag:$0x3] =	sbarrier.arrive $0xFFFF;
	s2 =	simm.s32 @!p0 $0x1C01  }
0x32: {  	[timem:s3], [sflag:s2] =	dma.local @!p0 [hbm:s0], s1  }
0x33: {  	s0 =	simm.s32 @!p0 $0x1  }
0x34: {  	_ =	swait.ge @!p0 [sflag:s0], s1  }
0x35: {  	s1 =	ssub.s32 @!p0 $0x0, s1;
	[sflag:s0] =	ssyncset.done @!p0 $0x0  }
0x36: {  	[sflag:s0] =	ssyncadd.s32 @!p0 s1  }
0x37: {  	[bflag:$0x3] =	sbarrier.arrive $0xFFFF  }
0x38: {  	_ =	shalt  }

// kernel: kernel.14.cloned.1.call-start
scs
__scs_entry_jumppad:
0x0: {  	(pc) =	sbr.rel $0x88, $3  }
0x1: {  	(tag) =	ssettag $0x0;
	lr =	simm.s32 $0x1  }
0x2: {  	[smem:$0x3F96] =	sst lr;
	_ =	strace $0xD0000000  }
0x3: {  	_ = 	snop  }
0x4: {  	_ = 	snop  }
0x5: {  	_ = 	snop  }
0x6: {  	_ = 	snop  }
0x7: {  	_ = 	snop  }
__scs_overlays_trampoline_lowered:
0x8: {  	[smem:$0x3FA5] =	sst s0  }
0x9: {  	[smem:$0x3FA6] =	sst s1  }
0xa: {  	[smem:$0x3FA7] =	sst s2  }
0xb: {  	[smem:$0x3FA8] =	sst s3  }
0xc: {  	[smem:$0x3FA9] =	sst s4  }
0xd: {  	[smem:$0x3FAA] =	sst s5  }
0xe: {  	[smem:$0x3FAB] =	sst s6  }
0xf: {  	[smem:$0x3FAC] =	sst s7  }
0x10: {  	[smem:$0x3FAD] =	sst s8  }
0x11: {  	[smem:$0x3FAE] =	sst s9;
	s0 =	simm.s32 @!p0 $0x0  }
0x12: {  	s1 =	sld [smem:$0x3F94];
	s0 =	simm.s32 @p0 $0x1  }
0x13: {  	[smem:$0x3FAF] =	sst s0;
	s0 =	simm.s32 @!p1 $0x0  }
0x14: {  	s2 =	sld [smem:$0x3F93];
	s0 =	simm.s32 @p1 $0x1  }
0x15: {  	[smem:$0x3FB0] =	sst s0;
	s0 =	simm.s32 @!p2 $0x0  }
0x16: {  	s3 =	sld [smem:$0x3FDB];
	s0 =	simm.s32 @p2 $0x1  }
0x17: {  	s4 =	simm.s32 $0x1BF5;
	[smem:$0x3FB2] =	sst s0  }
0x18: {  	s0 =	sld [smem:$0x3F95];
	_ =	swait.ge [sflag:s4], $0x0  }
0x19: {  	s7 =	sld [smem:$0x3F96]  }
0x1a: {  	s8 =	sadd.s32 $0xFFFFE003, lr  }
0x1b: {  	s9 =	sadd.s32 $0xFFFFFEF7, lr;
	s5 =	simm.s32 $0xFFFFFFFF;
	p2 =	slt.u32 s8, $0xFFFFF086  }
0x1c: {  	p1 =	slt.u32 s9, $0xF7A;
	s5 =	simm.s32 @!p2 $0x0  }
0x1d: {  	s5 =	simm.s32 @p1 $0x1;
	p0 =	seq.s32 s7, s2  }
0x1e: {  	s7 =	smul.u32 @!p0 $0xF7A, s2;
	p2 =	seq.s32 @!p0 s5, $0x0  }
0x1f: {  	s9 =	smul.u32 $0xF7A, s1;
	s8 =	simm.s32 @!p0 $0x1BF5;
	p2 =	por !p2, p0  }
0x20: {  	[sflag:s8] =	ssyncset.s32 @!p0 $0xFFFFF086;
	s6 =	sadd.s32 @!p0 s3, s7;
	s7 =	simm.s32 @!p0 $0x108  }
0x21: {  	s3 =	sadd.s32 s3, s9;
	s6 =	sadd.s32 @!p0 $0x88, s6;
	s7 =	simm.s32 @p2 $0x1082  }
0x22: {  	[simem:s7], [sflag:s8] =	dma.local @!p0 [hbm:s6], $0xF7A  }
0x23: {  	s9 =	sor.u32 $0xD0000000, s2;
	s6 =	simm.s32 $0x108;
	_ =	swait.ge @!p0 [sflag:s8], $0x0  }
0x24: {  	s3 =	sadd.s32 $0x88, s3;
	s6 =	simm.s32 @!p1 $0x1082;
	[sflag:s4] =	ssyncset.s32 $0xFFFFF086  }
0x25: {  	[simem:s6], [sflag:s4] =	dma.local [hbm:s3], $0xF7A  }
0x26: {  	[smem:$0x3F96] =	sst s1;
	(tag) =	ssettag s2;
	_ =	strace s9  }
0x27: {  	s1 =	sld [smem:$0x3FA6]  }
0x28: {  	s2 =	sld [smem:$0x3FA7]  }
0x29: {  	s4 =	sld [smem:$0x3FA9]  }
0x2a: {  	p0 =	seq.s32 s5, $0x0;
	s5 =	sld [smem:$0x3FAA]  }
0x2b: {  	s6 =	sld [smem:$0x3FAB]  }
0x2c: {  	s7 =	sld [smem:$0x3FAC]  }
0x2d: {  	s3 =	simm.s32 $0x108;
	s8 =	sld [smem:$0x3FAD]  }
0x2e: {  	s3 =	simm.s32 @!p0 $0x1082;
	s9 =	sld [smem:$0x3FAE]  }
0x2f: {  	lr =	sadd.s32 s0, s3;
	s0 =	sld [smem:$0x3FA5]  }
0x30: {  	s3 =	sld [smem:$0x3FA8]  }
0x31: {  	[smem:$0x3FB1] =	sst s10  }
0x32: {  	s10 =	sld [smem:$0x3FAF];
	_ =	sdelay $0x3  }
0x33: {  	p0 =	seq.s32 s10, $0x1;
	s10 =	sld [smem:$0x3FB1];
	_ =	sdelay $0x3  }
0x34: {  	[smem:$0x3FB1] =	sst s10  }
0x35: {  	s10 =	sld [smem:$0x3FB0];
	_ =	sdelay $0x3  }
0x36: {  	p1 =	seq.s32 s10, $0x1;
	s10 =	sld [smem:$0x3FB1];
	_ =	sdelay $0x3  }
0x37: {  	[smem:$0x3FB1] =	sst s10  }
0x38: {  	s10 =	sld [smem:$0x3FB2]  }
0x39: {  	_ = 	snop;
	(pc) =	sbr.ind lr, $3  }
0x3a: {  	_ = 	snop  }
0x3b: {  	_ = 	snop  }
0x3c: {  	p2 =	seq.s32 s10, $0x1;
	s10 =	sld [smem:$0x3FB1]  }
0x3d: {  	_ =	shalt  }
0x3e: {  	_ =	shalt  }
0x3f: {  	_ =	shalt  }
0x40: {  	_ =	shalt  }
0x41: {  	_ =	shalt  }
0x42: {  	_ =	shalt  }
0x43: {  	_ =	shalt  }
0x44: {  	_ =	shalt  }
0x45: {  	_ =	shalt  }
0x46: {  	_ =	shalt  }
0x47: {  	_ =	shalt  }
0x48: {  	_ =	shalt  }
0x49: {  	_ =	shalt  }
0x4a: {  	_ =	shalt  }
0x4b: {  	_ =	shalt  }
0x4c: {  	_ =	shalt  }
0x4d: {  	_ =	shalt  }
0x4e: {  	_ =	shalt  }
0x4f: {  	_ =	shalt  }
0x50: {  	_ =	shalt  }
0x51: {  	_ =	shalt  }
0x52: {  	_ =	shalt  }
0x53: {  	_ =	shalt  }
0x54: {  	_ =	shalt  }
0x55: {  	_ =	shalt  }
0x56: {  	_ =	shalt  }
0x57: {  	_ =	shalt  }
0x58: {  	_ =	shalt  }
0x59: {  	_ =	shalt  }
0x5a: {  	_ =	shalt  }
0x5b: {  	_ =	shalt  }
0x5c: {  	_ =	shalt  }
0x5d: {  	_ =	shalt  }
0x5e: {  	_ =	shalt  }
0x5f: {  	_ =	shalt  }
0x60: {  	_ =	shalt  }
0x61: {  	_ =	shalt  }
0x62: {  	_ =	shalt  }
0x63: {  	_ =	shalt  }
0x64: {  	_ =	shalt  }
0x65: {  	_ =	shalt  }
0x66: {  	_ =	shalt  }
0x67: {  	_ =	shalt  }
0x68: {  	_ =	shalt  }
0x69: {  	_ =	shalt  }
0x6a: {  	_ =	shalt  }
0x6b: {  	_ =	shalt  }
0x6c: {  	_ =	shalt  }
0x6d: {  	_ =	shalt  }
0x6e: {  	_ =	shalt  }
0x6f: {  	_ =	shalt  }
0x70: {  	_ =	shalt  }
0x71: {  	_ =	shalt  }
0x72: {  	_ =	shalt  }
0x73: {  	_ =	shalt  }
0x74: {  	_ =	shalt  }
0x75: {  	_ =	shalt  }
0x76: {  	_ =	shalt  }
0x77: {  	_ =	shalt  }
0x78: {  	_ =	shalt  }
0x79: {  	_ =	shalt  }
0x7a: {  	_ =	shalt  }
0x7b: {  	_ =	shalt  }
0x7c: {  	_ =	shalt  }
0x7d: {  	_ =	shalt  }
0x7e: {  	_ =	shalt  }
0x7f: {  	_ =	shalt  }
0x80: {  	_ =	shalt  }
0x81: {  	_ =	shalt  }
0x82: {  	_ =	shalt  }
0x83: {  	_ =	shalt  }
0x84: {  	_ =	shalt  }
0x85: {  	_ =	shalt  }
0x86: {  	_ =	shalt  }
0x87: {  	_ =	shalt  }
.Lfunc_end0:
.L_simem_size_0:
called_computation.1_lowered:
.L_overlay_start_0:
0x88: {  	s2 =	sld [smem:$0x3FD9]  }
0x89: {  	s3 =	sld [smem:$0x3FFE];
	_ =	sdelay $0x1  }
0x8a: {  	s1 =	srdreg.scid  }
0x8b: {  	s0 =	sand.u32 $0x1, s1  }
0x8c: {  	s16 =	sshll.u32 s0, $0xA;
	s2 =	sadd.s32 s3, s2  }
0x8d: {  	s2 =	sadd.s32 s2, s16  }
0x8e: {  	[smem:$0x3FBD] =	sst s2  }
0x8f: {  	_ = 	snop  }
0x90: {  	(tm) =	ssettm $0x1  }
0x91: {  	s17 =	sld [smem:$0x3FFB];
	_ =	sdelay $0x3  }
0x92: {  	_ =	strace s17  }
0x93: {  	s2 =	sld [smem:$0x3FFC];
	_ =	sdelay $0x3  }
0x94: {  	_ =	strace s2  }
0x95: {  	s2 =	sld [smem:$0x3FFD];
	_ =	sdelay $0x3  }
0x96: {  	_ =	strace s2  }
0x97: {  	_ =	strace $0x8FFFFFFF  }
0x98: {  	s18 =	sld [smem:$0x3FDB];
	_ =	sdelay $0x1  }
0x99: {  	s19 =	simm.s32 $_scs_section_size  }
0x9a: {  	s4 =	simm.s32 $_size__tile_overlayer_lowered;
	s5 =	simm.s32 $_tile_overlayer_lowered  }
0x9b: {  	s22 =	simm.s32 $0x1BFF;
	s21 =	sshll.u32 s5, $0x1;
	s2 =	sadd.s32 s19, s18  }
0x9c: {  	s6 =	simm.s32 $0x0;
	s20 =	sshll.u32 s4, $0x1;
	s4 =	sadd.s32 s21, s2  }
0x9d: {  	[timem:s6], [sflag:s22] =	dma.local [hbm:s4], s20  }
0x9e: {  	_ =	swait.ge [sflag:s22], s20  }
0x9f: {  	s3 =	ssub.s32 $0x0, s20;
	[sflag:s22] =	ssyncset.done $0x0  }
0xa0: {  	[sflag:s22] =	ssyncadd.s32 s3;
	_ =	sdelay $0x1  }
0xa1: {  	s23 =	simm.s32 $0x1B8B  }
0xa2: {  	_ =	swait.ge [sflag:s23], $0x1  }
0xa3: {  	[sflag:s23] =	ssyncset.done $0x0  }
0xa4: {  	s25 =	simm.s32 $0x1B8E;
	s24 =	sld [smem:$0x3FFE];
	[sflag:s23] =	ssyncadd.s32 $0xFFFFFFFF  }
0xa5: {  	s26 =	simm.s32 $execute0_lowered;
	[smem:$0x3FD2] =	sst s25  }
0xa6: {  	s4 =	sshll.u32 s26, $0x1;
	_ =	strace $0x80000049;
	[dreg:$0x1] =	wrdreg $0xFFFFFFFF  }
0xa7: {  	s28 =	simm.s32 $_size_execute0_lowered;
	s2 =	sadd.s32 s2, s4;
	[dreg:$0x0] =	wrdreg $0x0  }
0xa8: {  	s4 =	sshll.u32 s28, $0x1;
	[dreg:$0x2] =	wrdreg s2  }
0xa9: {  	[dreg:$0x3] =	wrdreg s4  }
0xaa: {  	[dreg:$0x4] =	wrdreg $0xC0  }
0xab: {  	_ =	task [dreg:s6], $0x5FFFF  }
0xac: {  	[dreg:$0x1] =	wrdreg $0xFFFFFFFF  }
0xad: {  	[dreg:$0x0] =	wrdreg $0x60  }
0xae: {  	[dreg:$0x2] =	wrdreg s24  }
0xaf: {  	[dreg:$0x3] =	wrdreg $0x0  }
0xb0: {  	[dreg:$0x4] =	wrdreg $0x9  }
0xb1: {  	_ =	task.clear_ibuf [dreg:s6], $0x5FFFF;
	_ =	strace $0x90000049  }
0xb2: {  	s29 =	simm.s32 $0x9;
	_ =	strace $0x8000004B  }
0xb3: {  	_ =	swait.ge [sflag:s29], $0x1  }
0xb4: {  	[sflag:s29] =	ssyncadd.s32 $0xFFFFFFFF  }
0xb5: {  	_ =	strace $0x9000004B  }
0xb6: {  	_ =	sfence  }
0xb7: {  	s30 =	sld [smem:$0x0];
	_ =	sdelay $0x2  }
0xb8: {  	s31 =	sshll.u32 s1, $0xD;
	s1 =	sshrl.u32 s1, $0x2  }
0xb9: {  	s3 =	sand.u32 $0x4000, s31;
	s1 =	sadd.s32 s1, s30  }
0xba: {  	s0 =	sor.u32 s3, s0;
	s1 =	sshll.u32 s1, $0x11  }
0xbb: {  	s0 =	sor.u32 s1, s0  }
0xbc: {  	s0 =	sadd.s32 $0x8F2B, s0  }
0xbd: {  	[sflag:s0] =	ssyncadd.remote.s32 $0x1  }
0xbe: {  	_ =	sfence.sel $0xFFFF  }
0xbf: {  	[dreg:$0x0] =	wrdreg $0xFFFFFFFF;
	(pc) =	sbr.abs _section_cstart, $3  }
0xc0: {  	[dreg:$0x1] =	wrdreg $0xFFFFFFFF  }
0xc1: {  	_ =	task.clear_ibuf [dreg:s6], $0x2FFFF;
	_ =	strace $0x9FFFFFFF  }
0xc2: {  	(tm) =	ssettm $0x7FFFFFFF  }
0xc3: {  	_ =	shalt  }
tec
execute0_lowered:
.L_overlay_start_1:
0x0: {  	(tag) =	ssettag $0x1  }
0x1: {  	s1 =	srdreg.scid  }
0x2: {  	s0 =	stileid.u32;
	s5 =	rddreg [dreg:$0x0]  }
0x3: {  	s2 =	rddreg [dreg:$0x1];
	s3 =	simm.s32 $0x0;
	s14 =	simm.s32 $0x80  }
0x4: {  	s15 =	simm.s32 $0x18C00;
	s6 =	sand.u32 $0x1, s1;
	s1 =	rddreg [dreg:$0x2]  }
0x5: {  	s26 =	sshll.u32 s0, $0x1;
	[smem:$0x7FF] =	sst s3;
	s16 =	smul.u32 $0x2780, s0  }
0x6: {  	s28 =	smul.u32 $0x4F000, s0;
	s31 =	sshll.u32 s0, $0x6;
	s4 =	sor.u32 s6, s26  }
0x7: {  	_ =	strace $0x8000004A;
	s8 =	smul.u32 $0x27800, s6;
	s6 =	ssub.s32 $0x2, s6  }
0x8: {  	s7 =	smul.u32 $0x500, s4;
	s4 =	sadd.s32 $0x8E600, s5;
	s10 =	sadd.s32 s16, s5  }
0x9: {  	s29 =	sshrl.u32 s6, $0x1;
	s30 =	sshrl.u32 s28, $0x2;
	s11 =	sadd.s32 s8, s5  }
0xa: {  	s12 =	ssub.s32 s6, s29;
	s13 =	sadd.s32 s30, s2;
	s6 =	sor.u32 $0x1C01, s31  }
0xb: {  	s9 =	sadd.s32 s7, s5;
	s5 =	sadd.s32 $0xD600, s10;
	s17 =	sadd.s32 $0xB5E00, s11  }
0xc: {  	s10 =	sshrl.u32 s13, $0x3;
	s11 =	simm.s32 $0x1;
	s13 =	simm.s32 $0x16400  }
0xd: {  	s7 =	sadd.s32 $0x84600, s9;
	s8 =	sadd.s32 $0x3600, s9;
	s9 =	smax.u32 s12, $0x1  }
0xe: {  	s12 =	simm.s32 $0x13C00;
	s16 =	sadd.s32 s16, s17;
	s17 =	simm.s32 $0x0  }
.LBB2_1:
0xf: {  	[spmem:s10], [sflag:s6] =	dma.local [hbm:s5], $0x2780  }
0x10: {  	_ =	swait.ge [sflag:s11], $0x2780  }
0x11: {  	[sflag:s11] =	ssyncset.done $0x0  }
0x12: {  	[sflag:s11] =	ssyncadd.s32 $0xFFFFD880  }
0x13: {  	[tilespmem:s12], [sflag:$0x1] =	stream.linear.gather [hbm4b:s7+s3], $0x2780, $0x38;
	[tilespmem:$0x1CC00] =	vst v63  }
0x14: {  	_ =	swait.ge [sflag:s11], $0x2780  }
0x15: {  	[sflag:s11] =	ssyncset.done $0x0  }
0x16: {  	[sflag:s11] =	ssyncadd.s32 $0xFFFFD880  }
0x17: {  	[tilespmem:s13], [sflag:$0x1] =	stream.linear.gather [hbm4b:s8+s3], $0x2780, $0x38;
	[tilespmem:$0x1CC00] =	vst v63  }
0x18: {  	_ =	swait.ge [sflag:s11], $0x2780  }
0x19: {  	[sflag:s11] =	ssyncset.done $0x0  }
0x1a: {  	[sflag:s11] =	ssyncadd.s32 $0xFFFFD880  }
0x1b: {  	s18 =	simm.s32 $0x13C00;
	[bflag:$0x0] =	sbarrier.arrive $0xFFFF  }
0x1c: {  	[tilespmem:s15], [sflag:$0x1] =	stream.indirect.gather [hbm4b:s4+s14], $0x80, s18, s14, $0xb8;
	[tilespmem:$0x1CC00] =	vst v63  }
0x1d: {  	_ =	swait.ge [sflag:s11], $0x4000  }
0x1e: {  	[sflag:s11] =	ssyncset.done $0x0  }
0x1f: {  	s31 =	simm.s32 $0x16400;
	[sflag:s11] =	ssyncadd.s32 $0xFFFFC000  }
0x20: {  	[spmem:s2] =	stream.indirect.scatter.add.f32 [tilespmem:s15], [sflag:$0x1], $0x80, s31, s14, $0xb8;
	[tilespmem:$0x1CC00] =	vst v63  }
0x21: {  	_ =	swait.ge [sflag:s11], $0x4000  }
0x22: {  	s19 =	simm.s32 $0x400;
	s18 =	simm.s32 $0x80;
	[sflag:s11] =	ssyncset.done $0x0  }
.LBB2_2:
0x23: {  	s20 =	sadd.s32 $0x13C00, s18  }
0x24: {  	[sflag:s11] =	ssyncadd.s32 $0xFFFFC000;
	s21 =	smov.u32 s19;
	s22 =	sadd.s32 $0x200, s19  }
0x25: {  	[tilespmem:s15], [sflag:$0x1] =	stream.indirect.gather [hbm4b:s4+s14], $0x80, s20, s14, $0xb8;
	[tilespmem:$0x1CC00] =	vst v63  }
0x26: {  	p0 =	sne.s32 s19, $0x9C00;
	_ =	swait.ge [sflag:s11], $0x4000  }
.Ltmp0:
0x27: {  	[sflag:s11] =	ssyncset.done $0x0;
	(pc) =	sbr.rel @p0 .LBB2_2-.Ltmp0, $4  }
0x28: {  	s18 =	sadd.s32 $0x16400, s18;
	[sflag:s11] =	ssyncadd.s32 $0xFFFFC000  }
0x29: {  	[spmem:s2] =	stream.indirect.scatter.add.f32 [tilespmem:s15], [sflag:$0x1], $0x80, s18, s14, $0xb8;
	[tilespmem:$0x1CC00] =	vst v63  }
0x2a: {  	_ =	swait.ge [sflag:s11], $0x4000  }
0x2b: {  	s19 =	smov.u32 s22;
	s18 =	sshra.s32 s21, $0x2;
	[sflag:s11] =	ssyncset.done $0x0  }
0x2c: {  	s19 =	sadd.s32 $0x13C00, s18;
	[sflag:s11] =	ssyncadd.s32 $0xFFFFC000  }
0x2d: {  	[tilespmem:s15], [sflag:$0x1] =	stream.indirect.gather [hbm4b:s4+s14], $0x80, s19, s14, $0xb8;
	[tilespmem:$0x1CC00] =	vst v63  }
0x2e: {  	_ =	swait.ge [sflag:s11], $0x4000  }
0x2f: {  	[sflag:s11] =	ssyncset.done $0x0  }
0x30: {  	s31 =	sadd.s32 $0x16400, s18;
	[sflag:s11] =	ssyncadd.s32 $0xFFFFC000  }
0x31: {  	[spmem:s2] =	stream.indirect.scatter.add.f32 [tilespmem:s15], [sflag:$0x1], $0x80, s31, s14, $0xb8;
	[tilespmem:$0x1CC00] =	vst v63  }
0x32: {  	_ =	swait.ge [sflag:s11], $0x4000  }
0x33: {  	s17 =	sadd.s32 $0x1, s17;
	[sflag:s11] =	ssyncset.done $0x0  }
0x34: {  	p0 =	sne.s32 s17, s9;
	[sflag:s11] =	ssyncadd.s32 $0xFFFFC000  }
.Ltmp1:
0x35: {  	[bflag:$0x0] =	sbarrier.arrive $0xFFFF;
	(pc) =	sbr.rel @p0 .LBB2_1-.Ltmp1, $4  }
0x36: {  	[hbm:s16], [sflag:s6] =	dma.local [spmem:s10], $0x2780  }
0x37: {  	_ =	swait.ge [sflag:s11], $0x2780  }
0x38: {  	[sflag:s11] =	ssyncset.done $0x0  }
0x39: {  	[sflag:s11] =	ssyncadd.s32 $0xFFFFD880  }
0x3a: {  	_ =	sfence.sel $0x180000  }
0x3b: {  	[bflag:$0x0] =	sbarrier.arrive $0xFFFF  }
0x3c: {  	p0 =	sne.s32 s0, $0x0;
	_ =	strace $0x9000004A  }
0x3d: {  	s0 =	sadd.s32 @!p0 $0x100000, s1;
	[bflag:$0x2] =	sbarrier.arrive $0xFFFF  }
0x3e: {  	[sflag:s0] =	ssyncadd.tile.s32 @!p0 $0x1;
	_ =	shalt  }
.Lfunc_end2:
_tile_overlayer_lowered:
.L_overlay_start_2:
0x3f: {  	(tag) =	ssettag $0x2  }
0x40: {  	s0 =	rddreg [dreg:$0x0];
	s2 =	stileid.u32  }
0x41: {  	s1 =	rddreg [dreg:$0x1];
	p0 =	sne.s32 s2, $0x0  }
0x42: {  	s3 =	rddreg [dreg:$0x2];
	[bflag:$0x3] =	sbarrier.arrive $0xFFFF;
	s2 =	simm.s32 @!p0 $0x1C01  }
0x43: {  	[timem:s3], [sflag:s2] =	dma.local @!p0 [hbm:s0], s1  }
0x44: {  	s0 =	simm.s32 @!p0 $0x1  }
0x45: {  	_ =	swait.ge @!p0 [sflag:s0], s1  }
0x46: {  	s1 =	ssub.s32 @!p0 $0x0, s1;
	[sflag:s0] =	ssyncset.done @!p0 $0x0  }
0x47: {  	[sflag:s0] =	ssyncadd.s32 @!p0 s1  }
0x48: {  	[bflag:$0x3] =	sbarrier.arrive $0xFFFF  }
0x49: {  	_ =	shalt  }

// kernel: kernel.17.cloned.1.call-start
scs
__scs_entry_jumppad:
0x0: {  	(pc) =	sbr.rel $0x88, $3  }
0x1: {  	(tag) =	ssettag $0x0;
	lr =	simm.s32 $0x1  }
0x2: {  	[smem:$0x3F96] =	sst lr;
	_ =	strace $0xD0000000  }
0x3: {  	_ = 	snop  }
0x4: {  	_ = 	snop  }
0x5: {  	_ = 	snop  }
0x6: {  	_ = 	snop  }
0x7: {  	_ = 	snop  }
__scs_overlays_trampoline_lowered:
0x8: {  	[smem:$0x3FA5] =	sst s0  }
0x9: {  	[smem:$0x3FA6] =	sst s1  }
0xa: {  	[smem:$0x3FA7] =	sst s2  }
0xb: {  	[smem:$0x3FA8] =	sst s3  }
0xc: {  	[smem:$0x3FA9] =	sst s4  }
0xd: {  	[smem:$0x3FAA] =	sst s5  }
0xe: {  	[smem:$0x3FAB] =	sst s6  }
0xf: {  	[smem:$0x3FAC] =	sst s7  }
0x10: {  	[smem:$0x3FAD] =	sst s8  }
0x11: {  	[smem:$0x3FAE] =	sst s9;
	s0 =	simm.s32 @!p0 $0x0  }
0x12: {  	s1 =	sld [smem:$0x3F94];
	s0 =	simm.s32 @p0 $0x1  }
0x13: {  	[smem:$0x3FAF] =	sst s0;
	s0 =	simm.s32 @!p1 $0x0  }
0x14: {  	s2 =	sld [smem:$0x3F93];
	s0 =	simm.s32 @p1 $0x1  }
0x15: {  	[smem:$0x3FB0] =	sst s0;
	s0 =	simm.s32 @!p2 $0x0  }
0x16: {  	s3 =	sld [smem:$0x3FDB];
	s0 =	simm.s32 @p2 $0x1  }
0x17: {  	s4 =	simm.s32 $0x1BF5;
	[smem:$0x3FB2] =	sst s0  }
0x18: {  	s0 =	sld [smem:$0x3F95];
	_ =	swait.ge [sflag:s4], $0x0  }
0x19: {  	s7 =	sld [smem:$0x3F96]  }
0x1a: {  	s8 =	sadd.s32 $0xFFFFE003, lr  }
0x1b: {  	s9 =	sadd.s32 $0xFFFFFEF7, lr;
	s5 =	simm.s32 $0xFFFFFFFF;
	p2 =	slt.u32 s8, $0xFFFFF086  }
0x1c: {  	p1 =	slt.u32 s9, $0xF7A;
	s5 =	simm.s32 @!p2 $0x0  }
0x1d: {  	s5 =	simm.s32 @p1 $0x1;
	p0 =	seq.s32 s7, s2  }
0x1e: {  	s7 =	smul.u32 @!p0 $0xF7A, s2;
	p2 =	seq.s32 @!p0 s5, $0x0  }
0x1f: {  	s9 =	smul.u32 $0xF7A, s1;
	s8 =	simm.s32 @!p0 $0x1BF5;
	p2 =	por !p2, p0  }
0x20: {  	[sflag:s8] =	ssyncset.s32 @!p0 $0xFFFFF086;
	s6 =	sadd.s32 @!p0 s3, s7;
	s7 =	simm.s32 @!p0 $0x108  }
0x21: {  	s3 =	sadd.s32 s3, s9;
	s6 =	sadd.s32 @!p0 $0x88, s6;
	s7 =	simm.s32 @p2 $0x1082  }
0x22: {  	[simem:s7], [sflag:s8] =	dma.local @!p0 [hbm:s6], $0xF7A  }
0x23: {  	s9 =	sor.u32 $0xD0000000, s2;
	s6 =	simm.s32 $0x108;
	_ =	swait.ge @!p0 [sflag:s8], $0x0  }
0x24: {  	s3 =	sadd.s32 $0x88, s3;
	s6 =	simm.s32 @!p1 $0x1082;
	[sflag:s4] =	ssyncset.s32 $0xFFFFF086  }
0x25: {  	[simem:s6], [sflag:s4] =	dma.local [hbm:s3], $0xF7A  }
0x26: {  	[smem:$0x3F96] =	sst s1;
	(tag) =	ssettag s2;
	_ =	strace s9  }
0x27: {  	s1 =	sld [smem:$0x3FA6]  }
0x28: {  	s2 =	sld [smem:$0x3FA7]  }
0x29: {  	s4 =	sld [smem:$0x3FA9]  }
0x2a: {  	p0 =	seq.s32 s5, $0x0;
	s5 =	sld [smem:$0x3FAA]  }
0x2b: {  	s6 =	sld [smem:$0x3FAB]  }
0x2c: {  	s7 =	sld [smem:$0x3FAC]  }
0x2d: {  	s3 =	simm.s32 $0x108;
	s8 =	sld [smem:$0x3FAD]  }
0x2e: {  	s3 =	simm.s32 @!p0 $0x1082;
	s9 =	sld [smem:$0x3FAE]  }
0x2f: {  	lr =	sadd.s32 s0, s3;
	s0 =	sld [smem:$0x3FA5]  }
0x30: {  	s3 =	sld [smem:$0x3FA8]  }
0x31: {  	[smem:$0x3FB1] =	sst s10  }
0x32: {  	s10 =	sld [smem:$0x3FAF];
	_ =	sdelay $0x3  }
0x33: {  	p0 =	seq.s32 s10, $0x1;
	s10 =	sld [smem:$0x3FB1];
	_ =	sdelay $0x3  }
0x34: {  	[smem:$0x3FB1] =	sst s10  }
0x35: {  	s10 =	sld [smem:$0x3FB0];
	_ =	sdelay $0x3  }
0x36: {  	p1 =	seq.s32 s10, $0x1;
	s10 =	sld [smem:$0x3FB1];
	_ =	sdelay $0x3  }
0x37: {  	[smem:$0x3FB1] =	sst s10  }
0x38: {  	s10 =	sld [smem:$0x3FB2]  }
0x39: {  	_ = 	snop;
	(pc) =	sbr.ind lr, $3  }
0x3a: {  	_ = 	snop  }
0x3b: {  	_ = 	snop  }
0x3c: {  	p2 =	seq.s32 s10, $0x1;
	s10 =	sld [smem:$0x3FB1]  }
0x3d: {  	_ =	shalt  }
0x3e: {  	_ =	shalt  }
0x3f: {  	_ =	shalt  }
0x40: {  	_ =	shalt  }
0x41: {  	_ =	shalt  }
0x42: {  	_ =	shalt  }
0x43: {  	_ =	shalt  }
0x44: {  	_ =	shalt  }
0x45: {  	_ =	shalt  }
0x46: {  	_ =	shalt  }
0x47: {  	_ =	shalt  }
0x48: {  	_ =	shalt  }
0x49: {  	_ =	shalt  }
0x4a: {  	_ =	shalt  }
0x4b: {  	_ =	shalt  }
0x4c: {  	_ =	shalt  }
0x4d: {  	_ =	shalt  }
0x4e: {  	_ =	shalt  }
0x4f: {  	_ =	shalt  }
0x50: {  	_ =	shalt  }
0x51: {  	_ =	shalt  }
0x52: {  	_ =	shalt  }
0x53: {  	_ =	shalt  }
0x54: {  	_ =	shalt  }
0x55: {  	_ =	shalt  }
0x56: {  	_ =	shalt  }
0x57: {  	_ =	shalt  }
0x58: {  	_ =	shalt  }
0x59: {  	_ =	shalt  }
0x5a: {  	_ =	shalt  }
0x5b: {  	_ =	shalt  }
0x5c: {  	_ =	shalt  }
0x5d: {  	_ =	shalt  }
0x5e: {  	_ =	shalt  }
0x5f: {  	_ =	shalt  }
0x60: {  	_ =	shalt  }
0x61: {  	_ =	shalt  }
0x62: {  	_ =	shalt  }
0x63: {  	_ =	shalt  }
0x64: {  	_ =	shalt  }
0x65: {  	_ =	shalt  }
0x66: {  	_ =	shalt  }
0x67: {  	_ =	shalt  }
0x68: {  	_ =	shalt  }
0x69: {  	_ =	shalt  }
0x6a: {  	_ =	shalt  }
0x6b: {  	_ =	shalt  }
0x6c: {  	_ =	shalt  }
0x6d: {  	_ =	shalt  }
0x6e: {  	_ =	shalt  }
0x6f: {  	_ =	shalt  }
0x70: {  	_ =	shalt  }
0x71: {  	_ =	shalt  }
0x72: {  	_ =	shalt  }
0x73: {  	_ =	shalt  }
0x74: {  	_ =	shalt  }
0x75: {  	_ =	shalt  }
0x76: {  	_ =	shalt  }
0x77: {  	_ =	shalt  }
0x78: {  	_ =	shalt  }
0x79: {  	_ =	shalt  }
0x7a: {  	_ =	shalt  }
0x7b: {  	_ =	shalt  }
0x7c: {  	_ =	shalt  }
0x7d: {  	_ =	shalt  }
0x7e: {  	_ =	shalt  }
0x7f: {  	_ =	shalt  }
0x80: {  	_ =	shalt  }
0x81: {  	_ =	shalt  }
0x82: {  	_ =	shalt  }
0x83: {  	_ =	shalt  }
0x84: {  	_ =	shalt  }
0x85: {  	_ =	shalt  }
0x86: {  	_ =	shalt  }
0x87: {  	_ =	shalt  }
.Lfunc_end0:
.L_simem_size_0:
called_computation.2_lowered:
.L_overlay_start_0:
0x88: {  	s2 =	sld [smem:$0x3FD9]  }
0x89: {  	s3 =	sld [smem:$0x3FFE];
	_ =	sdelay $0x1  }
0x8a: {  	s1 =	srdreg.scid  }
0x8b: {  	s0 =	sand.u32 $0x1, s1  }
0x8c: {  	s16 =	sshll.u32 s0, $0xA;
	s2 =	sadd.s32 s3, s2  }
0x8d: {  	s2 =	sadd.s32 s2, s16  }
0x8e: {  	[smem:$0x3FBD] =	sst s2  }
0x8f: {  	_ = 	snop  }
0x90: {  	(tm) =	ssettm $0x1  }
0x91: {  	s17 =	sld [smem:$0x3FFB];
	_ =	sdelay $0x3  }
0x92: {  	_ =	strace s17  }
0x93: {  	s2 =	sld [smem:$0x3FFC];
	_ =	sdelay $0x3  }
0x94: {  	_ =	strace s2  }
0x95: {  	s2 =	sld [smem:$0x3FFD];
	_ =	sdelay $0x3  }
0x96: {  	_ =	strace s2  }
0x97: {  	_ =	strace $0x8FFFFFFF  }
0x98: {  	s18 =	sld [smem:$0x3FDB];
	_ =	sdelay $0x1  }
0x99: {  	s19 =	simm.s32 $_scs_section_size  }
0x9a: {  	s4 =	simm.s32 $_size__tile_overlayer_lowered;
	s5 =	simm.s32 $_tile_overlayer_lowered  }
0x9b: {  	s22 =	simm.s32 $0x1BFF;
	s21 =	sshll.u32 s5, $0x1;
	s2 =	sadd.s32 s19, s18  }
0x9c: {  	s6 =	simm.s32 $0x0;
	s20 =	sshll.u32 s4, $0x1;
	s4 =	sadd.s32 s21, s2  }
0x9d: {  	[timem:s6], [sflag:s22] =	dma.local [hbm:s4], s20  }
0x9e: {  	_ =	swait.ge [sflag:s22], s20  }
0x9f: {  	s3 =	ssub.s32 $0x0, s20;
	[sflag:s22] =	ssyncset.done $0x0  }
0xa0: {  	[sflag:s22] =	ssyncadd.s32 s3;
	_ =	sdelay $0x1  }
0xa1: {  	s23 =	simm.s32 $0x1B8B  }
0xa2: {  	_ =	swait.ge [sflag:s23], $0x1  }
0xa3: {  	[sflag:s23] =	ssyncset.done $0x0  }
0xa4: {  	s25 =	simm.s32 $0x1B8E;
	s24 =	sld [smem:$0x3FFE];
	[sflag:s23] =	ssyncadd.s32 $0xFFFFFFFF  }
0xa5: {  	s26 =	simm.s32 $execute0_lowered;
	[smem:$0x3FD2] =	sst s25  }
0xa6: {  	s4 =	sshll.u32 s26, $0x1;
	_ =	strace $0x8000004C;
	[dreg:$0x1] =	wrdreg $0xFFFFFFFF  }
0xa7: {  	s28 =	simm.s32 $_size_execute0_lowered;
	s2 =	sadd.s32 s2, s4;
	[dreg:$0x0] =	wrdreg $0x0  }
0xa8: {  	s4 =	sshll.u32 s28, $0x1;
	[dreg:$0x2] =	wrdreg s2  }
0xa9: {  	[dreg:$0x3] =	wrdreg s4  }
0xaa: {  	[dreg:$0x4] =	wrdreg $0xC0  }
0xab: {  	_ =	task [dreg:s6], $0x5FFFF  }
0xac: {  	[dreg:$0x1] =	wrdreg $0xFFFFFFFF  }
0xad: {  	[dreg:$0x0] =	wrdreg $0x60  }
0xae: {  	[dreg:$0x2] =	wrdreg s24  }
0xaf: {  	[dreg:$0x3] =	wrdreg $0x0  }
0xb0: {  	[dreg:$0x4] =	wrdreg $0x9  }
0xb1: {  	_ =	task.clear_ibuf [dreg:s6], $0x5FFFF;
	_ =	strace $0x9000004C  }
0xb2: {  	s29 =	simm.s32 $0x9;
	_ =	strace $0x8000004E  }
0xb3: {  	_ =	swait.ge [sflag:s29], $0x1  }
0xb4: {  	[sflag:s29] =	ssyncadd.s32 $0xFFFFFFFF  }
0xb5: {  	_ =	strace $0x9000004E  }
0xb6: {  	_ =	sfence  }
0xb7: {  	s30 =	sld [smem:$0x0];
	_ =	sdelay $0x2  }
0xb8: {  	s31 =	sshll.u32 s1, $0xD;
	s1 =	sshrl.u32 s1, $0x2  }
0xb9: {  	s3 =	sand.u32 $0x4000, s31;
	s1 =	sadd.s32 s1, s30  }
0xba: {  	s0 =	sor.u32 s3, s0;
	s1 =	sshll.u32 s1, $0x11  }
0xbb: {  	s0 =	sor.u32 s1, s0  }
0xbc: {  	s0 =	sadd.s32 $0x8F2B, s0  }
0xbd: {  	[sflag:s0] =	ssyncadd.remote.s32 $0x1  }
0xbe: {  	_ =	sfence.sel $0xFFFF  }
0xbf: {  	[dreg:$0x0] =	wrdreg $0xFFFFFFFF;
	(pc) =	sbr.abs _section_cstart, $3  }
0xc0: {  	[dreg:$0x1] =	wrdreg $0xFFFFFFFF  }
0xc1: {  	_ =	task.clear_ibuf [dreg:s6], $0x2FFFF;
	_ =	strace $0x9FFFFFFF  }
0xc2: {  	(tm) =	ssettm $0x7FFFFFFF  }
0xc3: {  	_ =	shalt  }
tec
execute0_lowered:
.L_overlay_start_1:
0x0: {  	(tag) =	ssettag $0x1  }
0x1: {  	s1 =	srdreg.scid  }
0x2: {  	s0 =	stileid.u32;
	s5 =	rddreg [dreg:$0x0]  }
0x3: {  	s2 =	rddreg [dreg:$0x1];
	s3 =	simm.s32 $0x0;
	s14 =	simm.s32 $0x80  }
0x4: {  	s15 =	simm.s32 $0x18C00;
	s6 =	sand.u32 $0x1, s1;
	s1 =	rddreg [dreg:$0x2]  }
0x5: {  	s26 =	sshll.u32 s0, $0x1;
	[smem:$0x7FF] =	sst s3;
	s16 =	smul.u32 $0x2780, s0  }
0x6: {  	s28 =	smul.u32 $0x4F000, s0;
	s31 =	sshll.u32 s0, $0x6;
	s4 =	sor.u32 s6, s26  }
0x7: {  	_ =	strace $0x8000004D;
	s8 =	smul.u32 $0x27800, s6;
	s6 =	ssub.s32 $0x2, s6  }
0x8: {  	s7 =	smul.u32 $0x500, s4;
	s4 =	sadd.s32 $0x8E600, s5;
	s10 =	sadd.s32 s16, s5  }
0x9: {  	s29 =	sshrl.u32 s6, $0x1;
	s30 =	sshrl.u32 s28, $0x2;
	s11 =	sadd.s32 s8, s5  }
0xa: {  	s12 =	ssub.s32 s6, s29;
	s13 =	sadd.s32 s30, s2;
	s6 =	sor.u32 $0x1C01, s31  }
0xb: {  	s9 =	sadd.s32 s7, s5;
	s5 =	sadd.s32 $0xD600, s10;
	s17 =	sadd.s32 $0xB5E00, s11  }
0xc: {  	s10 =	sshrl.u32 s13, $0x3;
	s11 =	simm.s32 $0x1;
	s13 =	simm.s32 $0x16400  }
0xd: {  	s7 =	sadd.s32 $0x84600, s9;
	s8 =	sadd.s32 $0x3600, s9;
	s9 =	smax.u32 s12, $0x1  }
0xe: {  	s12 =	simm.s32 $0x13C00;
	s16 =	sadd.s32 s16, s17;
	s17 =	simm.s32 $0x0  }
.LBB2_1:
0xf: {  	[spmem:s10], [sflag:s6] =	dma.local [hbm:s5], $0x2780  }
0x10: {  	_ =	swait.ge [sflag:s11], $0x2780  }
0x11: {  	[sflag:s11] =	ssyncset.done $0x0  }
0x12: {  	[sflag:s11] =	ssyncadd.s32 $0xFFFFD880  }
0x13: {  	[tilespmem:s12], [sflag:$0x1] =	stream.linear.gather [hbm4b:s7+s3], $0x2780, $0x38;
	[tilespmem:$0x1CC00] =	vst v63  }
0x14: {  	_ =	swait.ge [sflag:s11], $0x2780  }
0x15: {  	[sflag:s11] =	ssyncset.done $0x0  }
0x16: {  	[sflag:s11] =	ssyncadd.s32 $0xFFFFD880  }
0x17: {  	[tilespmem:s13], [sflag:$0x1] =	stream.linear.gather [hbm4b:s8+s3], $0x2780, $0x38;
	[tilespmem:$0x1CC00] =	vst v63  }
0x18: {  	_ =	swait.ge [sflag:s11], $0x2780  }
0x19: {  	[sflag:s11] =	ssyncset.done $0x0  }
0x1a: {  	[sflag:s11] =	ssyncadd.s32 $0xFFFFD880  }
0x1b: {  	s18 =	simm.s32 $0x13C00;
	[bflag:$0x0] =	sbarrier.arrive $0xFFFF  }
0x1c: {  	[tilespmem:s15], [sflag:$0x1] =	stream.indirect.gather [hbm4b:s4+s14], $0x80, s18, s14, $0xb8;
	[tilespmem:$0x1CC00] =	vst v63  }
0x1d: {  	_ =	swait.ge [sflag:s11], $0x4000  }
0x1e: {  	[sflag:s11] =	ssyncset.done $0x0  }
0x1f: {  	s31 =	simm.s32 $0x16400;
	[sflag:s11] =	ssyncadd.s32 $0xFFFFC000  }
0x20: {  	[spmem:s2] =	stream.indirect.scatter.add.f32 [tilespmem:s15], [sflag:$0x1], $0x80, s31, s14, $0xb8;
	[tilespmem:$0x1CC00] =	vst v63  }
0x21: {  	_ =	swait.ge [sflag:s11], $0x4000  }
0x22: {  	s19 =	simm.s32 $0x400;
	s18 =	simm.s32 $0x80;
	[sflag:s11] =	ssyncset.done $0x0  }
.LBB2_2:
0x23: {  	s20 =	sadd.s32 $0x13C00, s18  }
0x24: {  	[sflag:s11] =	ssyncadd.s32 $0xFFFFC000;
	s21 =	smov.u32 s19;
	s22 =	sadd.s32 $0x200, s19  }
0x25: {  	[tilespmem:s15], [sflag:$0x1] =	stream.indirect.gather [hbm4b:s4+s14], $0x80, s20, s14, $0xb8;
	[tilespmem:$0x1CC00] =	vst v63  }
0x26: {  	p0 =	sne.s32 s19, $0x9C00;
	_ =	swait.ge [sflag:s11], $0x4000  }
.Ltmp0:
0x27: {  	[sflag:s11] =	ssyncset.done $0x0;
	(pc) =	sbr.rel @p0 .LBB2_2-.Ltmp0, $4  }
0x28: {  	s18 =	sadd.s32 $0x16400, s18;
	[sflag:s11] =	ssyncadd.s32 $0xFFFFC000  }
0x29: {  	[spmem:s2] =	stream.indirect.scatter.add.f32 [tilespmem:s15], [sflag:$0x1], $0x80, s18, s14, $0xb8;
	[tilespmem:$0x1CC00] =	vst v63  }
0x2a: {  	_ =	swait.ge [sflag:s11], $0x4000  }
0x2b: {  	s19 =	smov.u32 s22;
	s18 =	sshra.s32 s21, $0x2;
	[sflag:s11] =	ssyncset.done $0x0  }
0x2c: {  	s19 =	sadd.s32 $0x13C00, s18;
	[sflag:s11] =	ssyncadd.s32 $0xFFFFC000  }
0x2d: {  	[tilespmem:s15], [sflag:$0x1] =	stream.indirect.gather [hbm4b:s4+s14], $0x80, s19, s14, $0xb8;
	[tilespmem:$0x1CC00] =	vst v63  }
0x2e: {  	_ =	swait.ge [sflag:s11], $0x4000  }
0x2f: {  	[sflag:s11] =	ssyncset.done $0x0  }
0x30: {  	s31 =	sadd.s32 $0x16400, s18;
	[sflag:s11] =	ssyncadd.s32 $0xFFFFC000  }
0x31: {  	[spmem:s2] =	stream.indirect.scatter.add.f32 [tilespmem:s15], [sflag:$0x1], $0x80, s31, s14, $0xb8;
	[tilespmem:$0x1CC00] =	vst v63  }
0x32: {  	_ =	swait.ge [sflag:s11], $0x4000  }
0x33: {  	s17 =	sadd.s32 $0x1, s17;
	[sflag:s11] =	ssyncset.done $0x0  }
0x34: {  	p0 =	sne.s32 s17, s9;
	[sflag:s11] =	ssyncadd.s32 $0xFFFFC000  }
.Ltmp1:
0x35: {  	[bflag:$0x0] =	sbarrier.arrive $0xFFFF;
	(pc) =	sbr.rel @p0 .LBB2_1-.Ltmp1, $4  }
0x36: {  	[hbm:s16], [sflag:s6] =	dma.local [spmem:s10], $0x2780  }
0x37: {  	_ =	swait.ge [sflag:s11], $0x2780  }
0x38: {  	[sflag:s11] =	ssyncset.done $0x0  }
0x39: {  	[sflag:s11] =	ssyncadd.s32 $0xFFFFD880  }
0x3a: {  	_ =	sfence.sel $0x180000  }
0x3b: {  	[bflag:$0x0] =	sbarrier.arrive $0xFFFF  }
0x3c: {  	p0 =	sne.s32 s0, $0x0;
	_ =	strace $0x9000004D  }
0x3d: {  	s0 =	sadd.s32 @!p0 $0x100000, s1;
	[bflag:$0x2] =	sbarrier.arrive $0xFFFF  }
0x3e: {  	[sflag:s0] =	ssyncadd.tile.s32 @!p0 $0x1;
	_ =	shalt  }
.Lfunc_end2:
_tile_overlayer_lowered:
.L_overlay_start_2:
0x3f: {  	(tag) =	ssettag $0x2  }
0x40: {  	s0 =	rddreg [dreg:$0x0];
	s2 =	stileid.u32  }
0x41: {  	s1 =	rddreg [dreg:$0x1];
	p0 =	sne.s32 s2, $0x0  }
0x42: {  	s3 =	rddreg [dreg:$0x2];
	[bflag:$0x3] =	sbarrier.arrive $0xFFFF;
	s2 =	simm.s32 @!p0 $0x1C01  }
0x43: {  	[timem:s3], [sflag:s2] =	dma.local @!p0 [hbm:s0], s1  }
0x44: {  	s0 =	simm.s32 @!p0 $0x1  }
0x45: {  	_ =	swait.ge @!p0 [sflag:s0], s1  }
0x46: {  	s1 =	ssub.s32 @!p0 $0x0, s1;
	[sflag:s0] =	ssyncset.done @!p0 $0x0  }
0x47: {  	[sflag:s0] =	ssyncadd.s32 @!p0 s1  }
0x48: {  	[bflag:$0x3] =	sbarrier.arrive $0xFFFF  }
0x49: {  	_ =	shalt  }

// kernel: kernel.20.cloned.1.call-start
scs
__scs_entry_jumppad:
0x0: {  	(pc) =	sbr.rel $0x88, $3  }
0x1: {  	(tag) =	ssettag $0x0;
	lr =	simm.s32 $0x1  }
0x2: {  	[smem:$0x3F96] =	sst lr;
	_ =	strace $0xD0000000  }
0x3: {  	_ = 	snop  }
0x4: {  	_ = 	snop  }
0x5: {  	_ = 	snop  }
0x6: {  	_ = 	snop  }
0x7: {  	_ = 	snop  }
__scs_overlays_trampoline_lowered:
0x8: {  	[smem:$0x3FA5] =	sst s0  }
0x9: {  	[smem:$0x3FA6] =	sst s1  }
0xa: {  	[smem:$0x3FA7] =	sst s2  }
0xb: {  	[smem:$0x3FA8] =	sst s3  }
0xc: {  	[smem:$0x3FA9] =	sst s4  }
0xd: {  	[smem:$0x3FAA] =	sst s5  }
0xe: {  	[smem:$0x3FAB] =	sst s6  }
0xf: {  	[smem:$0x3FAC] =	sst s7  }
0x10: {  	[smem:$0x3FAD] =	sst s8  }
0x11: {  	[smem:$0x3FAE] =	sst s9;
	s0 =	simm.s32 @!p0 $0x0  }
0x12: {  	s1 =	sld [smem:$0x3F94];
	s0 =	simm.s32 @p0 $0x1  }
0x13: {  	[smem:$0x3FAF] =	sst s0;
	s0 =	simm.s32 @!p1 $0x0  }
0x14: {  	s2 =	sld [smem:$0x3F93];
	s0 =	simm.s32 @p1 $0x1  }
0x15: {  	[smem:$0x3FB0] =	sst s0;
	s0 =	simm.s32 @!p2 $0x0  }
0x16: {  	s3 =	sld [smem:$0x3FDB];
	s0 =	simm.s32 @p2 $0x1  }
0x17: {  	s4 =	simm.s32 $0x1BF5;
	[smem:$0x3FB2] =	sst s0  }
0x18: {  	s0 =	sld [smem:$0x3F95];
	_ =	swait.ge [sflag:s4], $0x0  }
0x19: {  	s7 =	sld [smem:$0x3F96]  }
0x1a: {  	s8 =	sadd.s32 $0xFFFFE003, lr  }
0x1b: {  	s9 =	sadd.s32 $0xFFFFFEF7, lr;
	s5 =	simm.s32 $0xFFFFFFFF;
	p2 =	slt.u32 s8, $0xFFFFF086  }
0x1c: {  	p1 =	slt.u32 s9, $0xF7A;
	s5 =	simm.s32 @!p2 $0x0  }
0x1d: {  	s5 =	simm.s32 @p1 $0x1;
	p0 =	seq.s32 s7, s2  }
0x1e: {  	s7 =	smul.u32 @!p0 $0xF7A, s2;
	p2 =	seq.s32 @!p0 s5, $0x0  }
0x1f: {  	s9 =	smul.u32 $0xF7A, s1;
	s8 =	simm.s32 @!p0 $0x1BF5;
	p2 =	por !p2, p0  }
0x20: {  	[sflag:s8] =	ssyncset.s32 @!p0 $0xFFFFF086;
	s6 =	sadd.s32 @!p0 s3, s7;
	s7 =	simm.s32 @!p0 $0x108  }
0x21: {  	s3 =	sadd.s32 s3, s9;
	s6 =	sadd.s32 @!p0 $0x88, s6;
	s7 =	simm.s32 @p2 $0x1082  }
0x22: {  	[simem:s7], [sflag:s8] =	dma.local @!p0 [hbm:s6], $0xF7A  }
0x23: {  	s9 =	sor.u32 $0xD0000000, s2;
	s6 =	simm.s32 $0x108;
	_ =	swait.ge @!p0 [sflag:s8], $0x0  }
0x24: {  	s3 =	sadd.s32 $0x88, s3;
	s6 =	simm.s32 @!p1 $0x1082;
	[sflag:s4] =	ssyncset.s32 $0xFFFFF086  }
0x25: {  	[simem:s6], [sflag:s4] =	dma.local [hbm:s3], $0xF7A  }
0x26: {  	[smem:$0x3F96] =	sst s1;
	(tag) =	ssettag s2;
	_ =	strace s9  }
0x27: {  	s1 =	sld [smem:$0x3FA6]  }
0x28: {  	s2 =	sld [smem:$0x3FA7]  }
0x29: {  	s4 =	sld [smem:$0x3FA9]  }
0x2a: {  	p0 =	seq.s32 s5, $0x0;
	s5 =	sld [smem:$0x3FAA]  }
0x2b: {  	s6 =	sld [smem:$0x3FAB]  }
0x2c: {  	s7 =	sld [smem:$0x3FAC]  }
0x2d: {  	s3 =	simm.s32 $0x108;
	s8 =	sld [smem:$0x3FAD]  }
0x2e: {  	s3 =	simm.s32 @!p0 $0x1082;
	s9 =	sld [smem:$0x3FAE]  }
0x2f: {  	lr =	sadd.s32 s0, s3;
	s0 =	sld [smem:$0x3FA5]  }
0x30: {  	s3 =	sld [smem:$0x3FA8]  }
0x31: {  	[smem:$0x3FB1] =	sst s10  }
0x32: {  	s10 =	sld [smem:$0x3FAF];
	_ =	sdelay $0x3  }
0x33: {  	p0 =	seq.s32 s10, $0x1;
	s10 =	sld [smem:$0x3FB1];
	_ =	sdelay $0x3  }
0x34: {  	[smem:$0x3FB1] =	sst s10  }
0x35: {  	s10 =	sld [smem:$0x3FB0];
	_ =	sdelay $0x3  }
0x36: {  	p1 =	seq.s32 s10, $0x1;
	s10 =	sld [smem:$0x3FB1];
	_ =	sdelay $0x3  }
0x37: {  	[smem:$0x3FB1] =	sst s10  }
0x38: {  	s10 =	sld [smem:$0x3FB2]  }
0x39: {  	_ = 	snop;
	(pc) =	sbr.ind lr, $3  }
0x3a: {  	_ = 	snop  }
0x3b: {  	_ = 	snop  }
0x3c: {  	p2 =	seq.s32 s10, $0x1;
	s10 =	sld [smem:$0x3FB1]  }
0x3d: {  	_ =	shalt  }
0x3e: {  	_ =	shalt  }
0x3f: {  	_ =	shalt  }
0x40: {  	_ =	shalt  }
0x41: {  	_ =	shalt  }
0x42: {  	_ =	shalt  }
0x43: {  	_ =	shalt  }
0x44: {  	_ =	shalt  }
0x45: {  	_ =	shalt  }
0x46: {  	_ =	shalt  }
0x47: {  	_ =	shalt  }
0x48: {  	_ =	shalt  }
0x49: {  	_ =	shalt  }
0x4a: {  	_ =	shalt  }
0x4b: {  	_ =	shalt  }
0x4c: {  	_ =	shalt  }
0x4d: {  	_ =	shalt  }
0x4e: {  	_ =	shalt  }
0x4f: {  	_ =	shalt  }
0x50: {  	_ =	shalt  }
0x51: {  	_ =	shalt  }
0x52: {  	_ =	shalt  }
0x53: {  	_ =	shalt  }
0x54: {  	_ =	shalt  }
0x55: {  	_ =	shalt  }
0x56: {  	_ =	shalt  }
0x57: {  	_ =	shalt  }
0x58: {  	_ =	shalt  }
0x59: {  	_ =	shalt  }
0x5a: {  	_ =	shalt  }
0x5b: {  	_ =	shalt  }
0x5c: {  	_ =	shalt  }
0x5d: {  	_ =	shalt  }
0x5e: {  	_ =	shalt  }
0x5f: {  	_ =	shalt  }
0x60: {  	_ =	shalt  }
0x61: {  	_ =	shalt  }
0x62: {  	_ =	shalt  }
0x63: {  	_ =	shalt  }
0x64: {  	_ =	shalt  }
0x65: {  	_ =	shalt  }
0x66: {  	_ =	shalt  }
0x67: {  	_ =	shalt  }
0x68: {  	_ =	shalt  }
0x69: {  	_ =	shalt  }
0x6a: {  	_ =	shalt  }
0x6b: {  	_ =	shalt  }
0x6c: {  	_ =	shalt  }
0x6d: {  	_ =	shalt  }
0x6e: {  	_ =	shalt  }
0x6f: {  	_ =	shalt  }
0x70: {  	_ =	shalt  }
0x71: {  	_ =	shalt  }
0x72: {  	_ =	shalt  }
0x73: {  	_ =	shalt  }
0x74: {  	_ =	shalt  }
0x75: {  	_ =	shalt  }
0x76: {  	_ =	shalt  }
0x77: {  	_ =	shalt  }
0x78: {  	_ =	shalt  }
0x79: {  	_ =	shalt  }
0x7a: {  	_ =	shalt  }
0x7b: {  	_ =	shalt  }
0x7c: {  	_ =	shalt  }
0x7d: {  	_ =	shalt  }
0x7e: {  	_ =	shalt  }
0x7f: {  	_ =	shalt  }
0x80: {  	_ =	shalt  }
0x81: {  	_ =	shalt  }
0x82: {  	_ =	shalt  }
0x83: {  	_ =	shalt  }
0x84: {  	_ =	shalt  }
0x85: {  	_ =	shalt  }
0x86: {  	_ =	shalt  }
0x87: {  	_ =	shalt  }
.Lfunc_end0:
.L_simem_size_0:
called_computation.3_lowered:
.L_overlay_start_0:
0x88: {  	s2 =	sld [smem:$0x3FD9]  }
0x89: {  	s3 =	sld [smem:$0x3FFE];
	_ =	sdelay $0x1  }
0x8a: {  	s1 =	srdreg.scid  }
0x8b: {  	s0 =	sand.u32 $0x1, s1  }
0x8c: {  	s16 =	sshll.u32 s0, $0xA;
	s2 =	sadd.s32 s3, s2  }
0x8d: {  	s2 =	sadd.s32 s2, s16  }
0x8e: {  	[smem:$0x3FBD] =	sst s2  }
0x8f: {  	_ = 	snop  }
0x90: {  	(tm) =	ssettm $0x1  }
0x91: {  	s17 =	sld [smem:$0x3FFB];
	_ =	sdelay $0x3  }
0x92: {  	_ =	strace s17  }
0x93: {  	s2 =	sld [smem:$0x3FFC];
	_ =	sdelay $0x3  }
0x94: {  	_ =	strace s2  }
0x95: {  	s2 =	sld [smem:$0x3FFD];
	_ =	sdelay $0x3  }
0x96: {  	_ =	strace s2  }
0x97: {  	_ =	strace $0x8FFFFFFF  }
0x98: {  	s18 =	sld [smem:$0x3FDB];
	_ =	sdelay $0x1  }
0x99: {  	s19 =	simm.s32 $_scs_section_size  }
0x9a: {  	s4 =	simm.s32 $_size__tile_overlayer_lowered;
	s5 =	simm.s32 $_tile_overlayer_lowered  }
0x9b: {  	s22 =	simm.s32 $0x1BFF;
	s21 =	sshll.u32 s5, $0x1;
	s2 =	sadd.s32 s19, s18  }
0x9c: {  	s6 =	simm.s32 $0x0;
	s20 =	sshll.u32 s4, $0x1;
	s4 =	sadd.s32 s21, s2  }
0x9d: {  	[timem:s6], [sflag:s22] =	dma.local [hbm:s4], s20  }
0x9e: {  	_ =	swait.ge [sflag:s22], s20  }
0x9f: {  	s3 =	ssub.s32 $0x0, s20;
	[sflag:s22] =	ssyncset.done $0x0  }
0xa0: {  	[sflag:s22] =	ssyncadd.s32 s3;
	_ =	sdelay $0x1  }
0xa1: {  	s23 =	simm.s32 $0x1B8B  }
0xa2: {  	_ =	swait.ge [sflag:s23], $0x1  }
0xa3: {  	[sflag:s23] =	ssyncset.done $0x0  }
0xa4: {  	s25 =	simm.s32 $0x1B8E;
	s24 =	sld [smem:$0x3FFE];
	[sflag:s23] =	ssyncadd.s32 $0xFFFFFFFF  }
0xa5: {  	s26 =	simm.s32 $execute0_lowered;
	[smem:$0x3FD2] =	sst s25  }
0xa6: {  	s4 =	sshll.u32 s26, $0x1;
	_ =	strace $0x8000004F;
	[dreg:$0x1] =	wrdreg $0xFFFFFFFF  }
0xa7: {  	s28 =	simm.s32 $_size_execute0_lowered;
	s2 =	sadd.s32 s2, s4;
	[dreg:$0x0] =	wrdreg $0x0  }
0xa8: {  	s4 =	sshll.u32 s28, $0x1;
	[dreg:$0x2] =	wrdreg s2  }
0xa9: {  	[dreg:$0x3] =	wrdreg s4  }
0xaa: {  	[dreg:$0x4] =	wrdreg $0xC0  }
0xab: {  	_ =	task [dreg:s6], $0x5FFFF  }
0xac: {  	[dreg:$0x1] =	wrdreg $0xFFFFFFFF  }
0xad: {  	[dreg:$0x0] =	wrdreg $0x60  }
0xae: {  	[dreg:$0x2] =	wrdreg s24  }
0xaf: {  	[dreg:$0x3] =	wrdreg $0x0  }
0xb0: {  	[dreg:$0x4] =	wrdreg $0x9  }
0xb1: {  	_ =	task.clear_ibuf [dreg:s6], $0x5FFFF;
	_ =	strace $0x9000004F  }
0xb2: {  	s29 =	simm.s32 $0x9;
	_ =	strace $0x80000051  }
0xb3: {  	_ =	swait.ge [sflag:s29], $0x1  }
0xb4: {  	[sflag:s29] =	ssyncadd.s32 $0xFFFFFFFF  }
0xb5: {  	_ =	strace $0x90000051  }
0xb6: {  	_ =	sfence  }
0xb7: {  	s30 =	sld [smem:$0x0];
	_ =	sdelay $0x2  }
0xb8: {  	s31 =	sshll.u32 s1, $0xD;
	s1 =	sshrl.u32 s1, $0x2  }
0xb9: {  	s3 =	sand.u32 $0x4000, s31;
	s1 =	sadd.s32 s1, s30  }
0xba: {  	s0 =	sor.u32 s3, s0;
	s1 =	sshll.u32 s1, $0x11  }
0xbb: {  	s0 =	sor.u32 s1, s0  }
0xbc: {  	s0 =	sadd.s32 $0x8F2B, s0  }
0xbd: {  	[sflag:s0] =	ssyncadd.remote.s32 $0x1  }
0xbe: {  	_ =	sfence.sel $0xFFFF  }
0xbf: {  	[dreg:$0x0] =	wrdreg $0xFFFFFFFF;
	(pc) =	sbr.abs _section_cstart, $3  }
0xc0: {  	[dreg:$0x1] =	wrdreg $0xFFFFFFFF  }
0xc1: {  	_ =	task.clear_ibuf [dreg:s6], $0x2FFFF;
	_ =	strace $0x9FFFFFFF  }
0xc2: {  	(tm) =	ssettm $0x7FFFFFFF  }
0xc3: {  	_ =	shalt  }
tec
execute0_lowered:
.L_overlay_start_1:
0x0: {  	(tag) =	ssettag $0x1  }
0x1: {  	s1 =	srdreg.scid  }
0x2: {  	s0 =	stileid.u32;
	s5 =	rddreg [dreg:$0x0]  }
0x3: {  	s2 =	rddreg [dreg:$0x1];
	s3 =	simm.s32 $0x0;
	s14 =	simm.s32 $0x80  }
0x4: {  	s15 =	simm.s32 $0x18C00;
	s6 =	sand.u32 $0x1, s1;
	s1 =	rddreg [dreg:$0x2]  }
0x5: {  	s26 =	sshll.u32 s0, $0x1;
	[smem:$0x7FF] =	sst s3;
	s16 =	smul.u32 $0x2780, s0  }
0x6: {  	s28 =	smul.u32 $0x4F000, s0;
	s31 =	sshll.u32 s0, $0x6;
	s4 =	sor.u32 s6, s26  }
0x7: {  	_ =	strace $0x80000050;
	s8 =	smul.u32 $0x27800, s6;
	s6 =	ssub.s32 $0x2, s6  }
0x8: {  	s7 =	smul.u32 $0x500, s4;
	s4 =	sadd.s32 $0x8E600, s5;
	s10 =	sadd.s32 s16, s5  }
0x9: {  	s29 =	sshrl.u32 s6, $0x1;
	s30 =	sshrl.u32 s28, $0x2;
	s11 =	sadd.s32 s8, s5  }
0xa: {  	s12 =	ssub.s32 s6, s29;
	s13 =	sadd.s32 s30, s2;
	s6 =	sor.u32 $0x1C01, s31  }
0xb: {  	s9 =	sadd.s32 s7, s5;
	s5 =	sadd.s32 $0xD600, s10;
	s17 =	sadd.s32 $0xB5E00, s11  }
0xc: {  	s10 =	sshrl.u32 s13, $0x3;
	s11 =	simm.s32 $0x1;
	s13 =	simm.s32 $0x16400  }
0xd: {  	s7 =	sadd.s32 $0x84600, s9;
	s8 =	sadd.s32 $0x3600, s9;
	s9 =	smax.u32 s12, $0x1  }
0xe: {  	s12 =	simm.s32 $0x13C00;
	s16 =	sadd.s32 s16, s17;
	s17 =	simm.s32 $0x0  }
.LBB2_1:
0xf: {  	[spmem:s10], [sflag:s6] =	dma.local [hbm:s5], $0x2780  }
0x10: {  	_ =	swait.ge [sflag:s11], $0x2780  }
0x11: {  	[sflag:s11] =	ssyncset.done $0x0  }
0x12: {  	[sflag:s11] =	ssyncadd.s32 $0xFFFFD880  }
0x13: {  	[tilespmem:s12], [sflag:$0x1] =	stream.linear.gather [hbm4b:s7+s3], $0x2780, $0x38;
	[tilespmem:$0x1CC00] =	vst v63  }
0x14: {  	_ =	swait.ge [sflag:s11], $0x2780  }
0x15: {  	[sflag:s11] =	ssyncset.done $0x0  }
0x16: {  	[sflag:s11] =	ssyncadd.s32 $0xFFFFD880  }
0x17: {  	[tilespmem:s13], [sflag:$0x1] =	stream.linear.gather [hbm4b:s8+s3], $0x2780, $0x38;
	[tilespmem:$0x1CC00] =	vst v63  }
0x18: {  	_ =	swait.ge [sflag:s11], $0x2780  }
0x19: {  	[sflag:s11] =	ssyncset.done $0x0  }
0x1a: {  	[sflag:s11] =	ssyncadd.s32 $0xFFFFD880  }
0x1b: {  	s18 =	simm.s32 $0x13C00;
	[bflag:$0x0] =	sbarrier.arrive $0xFFFF  }
0x1c: {  	[tilespmem:s15], [sflag:$0x1] =	stream.indirect.gather [hbm4b:s4+s14], $0x80, s18, s14, $0xb8;
	[tilespmem:$0x1CC00] =	vst v63  }
0x1d: {  	_ =	swait.ge [sflag:s11], $0x4000  }
0x1e: {  	[sflag:s11] =	ssyncset.done $0x0  }
0x1f: {  	s31 =	simm.s32 $0x16400;
	[sflag:s11] =	ssyncadd.s32 $0xFFFFC000  }
0x20: {  	[spmem:s2] =	stream.indirect.scatter.add.f32 [tilespmem:s15], [sflag:$0x1], $0x80, s31, s14, $0xb8;
	[tilespmem:$0x1CC00] =	vst v63  }
0x21: {  	_ =	swait.ge [sflag:s11], $0x4000  }
0x22: {  	s19 =	simm.s32 $0x400;
	s18 =	simm.s32 $0x80;
	[sflag:s11] =	ssyncset.done $0x0  }
.LBB2_2:
0x23: {  	s20 =	sadd.s32 $0x13C00, s18  }
0x24: {  	[sflag:s11] =	ssyncadd.s32 $0xFFFFC000;
	s21 =	smov.u32 s19;
	s22 =	sadd.s32 $0x200, s19  }
0x25: {  	[tilespmem:s15], [sflag:$0x1] =	stream.indirect.gather [hbm4b:s4+s14], $0x80, s20, s14, $0xb8;
	[tilespmem:$0x1CC00] =	vst v63  }
0x26: {  	p0 =	sne.s32 s19, $0x9C00;
	_ =	swait.ge [sflag:s11], $0x4000  }
.Ltmp0:
0x27: {  	[sflag:s11] =	ssyncset.done $0x0;
	(pc) =	sbr.rel @p0 .LBB2_2-.Ltmp0, $4  }
0x28: {  	s18 =	sadd.s32 $0x16400, s18;
	[sflag:s11] =	ssyncadd.s32 $0xFFFFC000  }
0x29: {  	[spmem:s2] =	stream.indirect.scatter.add.f32 [tilespmem:s15], [sflag:$0x1], $0x80, s18, s14, $0xb8;
	[tilespmem:$0x1CC00] =	vst v63  }
0x2a: {  	_ =	swait.ge [sflag:s11], $0x4000  }
0x2b: {  	s19 =	smov.u32 s22;
	s18 =	sshra.s32 s21, $0x2;
	[sflag:s11] =	ssyncset.done $0x0  }
0x2c: {  	s19 =	sadd.s32 $0x13C00, s18;
	[sflag:s11] =	ssyncadd.s32 $0xFFFFC000  }
0x2d: {  	[tilespmem:s15], [sflag:$0x1] =	stream.indirect.gather [hbm4b:s4+s14], $0x80, s19, s14, $0xb8;
	[tilespmem:$0x1CC00] =	vst v63  }
0x2e: {  	_ =	swait.ge [sflag:s11], $0x4000  }
0x2f: {  	[sflag:s11] =	ssyncset.done $0x0  }
0x30: {  	s31 =	sadd.s32 $0x16400, s18;
	[sflag:s11] =	ssyncadd.s32 $0xFFFFC000  }
0x31: {  	[spmem:s2] =	stream.indirect.scatter.add.f32 [tilespmem:s15], [sflag:$0x1], $0x80, s31, s14, $0xb8;
	[tilespmem:$0x1CC00] =	vst v63  }
0x32: {  	_ =	swait.ge [sflag:s11], $0x4000  }
0x33: {  	s17 =	sadd.s32 $0x1, s17;
	[sflag:s11] =	ssyncset.done $0x0  }
0x34: {  	p0 =	sne.s32 s17, s9;
	[sflag:s11] =	ssyncadd.s32 $0xFFFFC000  }
.Ltmp1:
0x35: {  	[bflag:$0x0] =	sbarrier.arrive $0xFFFF;
	(pc) =	sbr.rel @p0 .LBB2_1-.Ltmp1, $4  }
0x36: {  	[hbm:s16], [sflag:s6] =	dma.local [spmem:s10], $0x2780  }
0x37: {  	_ =	swait.ge [sflag:s11], $0x2780  }
0x38: {  	[sflag:s11] =	ssyncset.done $0x0  }
0x39: {  	[sflag:s11] =	ssyncadd.s32 $0xFFFFD880  }
0x3a: {  	_ =	sfence.sel $0x180000  }
0x3b: {  	[bflag:$0x0] =	sbarrier.arrive $0xFFFF  }
0x3c: {  	p0 =	sne.s32 s0, $0x0;
	_ =	strace $0x90000050  }
0x3d: {  	s0 =	sadd.s32 @!p0 $0x100000, s1;
	[bflag:$0x2] =	sbarrier.arrive $0xFFFF  }
0x3e: {  	[sflag:s0] =	ssyncadd.tile.s32 @!p0 $0x1;
	_ =	shalt  }
.Lfunc_end2:
_tile_overlayer_lowered:
.L_overlay_start_2:
0x3f: {  	(tag) =	ssettag $0x2  }
0x40: {  	s0 =	rddreg [dreg:$0x0];
	s2 =	stileid.u32  }
0x41: {  	s1 =	rddreg [dreg:$0x1];
	p0 =	sne.s32 s2, $0x0  }
0x42: {  	s3 =	rddreg [dreg:$0x2];
	[bflag:$0x3] =	sbarrier.arrive $0xFFFF;
	s2 =	simm.s32 @!p0 $0x1C01  }
0x43: {  	[timem:s3], [sflag:s2] =	dma.local @!p0 [hbm:s0], s1  }
0x44: {  	s0 =	simm.s32 @!p0 $0x1  }
0x45: {  	_ =	swait.ge @!p0 [sflag:s0], s1  }
0x46: {  	s1 =	ssub.s32 @!p0 $0x0, s1;
	[sflag:s0] =	ssyncset.done @!p0 $0x0  }
0x47: {  	[sflag:s0] =	ssyncadd.s32 @!p0 s1  }
0x48: {  	[bflag:$0x3] =	sbarrier.arrive $0xFFFF  }
0x49: {  	_ =	shalt  }

</sc_bundles>
